<compile_context>
chip_gen: v7x
topology: tpu7x:2x2x1
jax: 0.10.2.dev20260603
libtpu: 0.0.44.dev20260713+nightly
codegen_flags: <defaults>
</compile_context>

<pallas_src>
import functools

import jax
import jax.numpy as jnp
from jax import lax
from jax.experimental import pallas as pl
from jax.experimental.pallas import tpu as pltpu
from jax.experimental.pallas import tpu_sc as plsc

N = 10000
E = 320000
D = 128
H = 128
C = 40
G = 64

NW = 32
NP = 10240
RPT = NP // 16
K = 80
EPW = E // NW
NCH = EPW // K

KH = 128
NCHH = EPW // KH
REMH = EPW - NCHH * KH

R = 1000
NB = N // R

_mesh = plsc.VectorSubcoreMesh(core_axis_name="c", subcore_axis_name="s")


@functools.partial(
    pl.kernel,
    out_type=jax.ShapeDtypeStruct((2 * NP,), jnp.float32),
    mesh=_mesh,
    scratch_types=[
        pltpu.VMEM((EPW,), jnp.int32),
        pltpu.VMEM((KH,), jnp.float32),
        pltpu.VMEM((RPT,), jnp.float32),
        pltpu.VMEM_SHARED((NP,), jnp.float32),
        pltpu.SemaphoreType.DMA,
    ],
)
def _sc_degree(dst_hbm, out_hbm, di, ones_v, zb, hist, sidx):
    cid = lax.axis_index("c")
    sid = lax.axis_index("s")
    wid = sid * 2 + cid
    base_w = pl.multiple_of(wid * EPW, 8)

    cidx = pltpu.async_copy(dst_hbm.at[pl.ds(base_w, EPW)], di, sidx)

    z16 = jnp.zeros((16,), jnp.float32)
    o16 = jnp.ones((16,), jnp.float32)

    def zb_body(j, carry):
        zb[pl.ds(j * 16, 16)] = z16
        return carry

    lax.fori_loop(0, RPT // 16, zb_body, 0)
    for j in range(KH // 16):
        ones_v[pl.ds(j * 16, 16)] = o16

    pltpu.sync_copy(zb, hist.at[pl.ds(sid * RPT, RPT)])
    cidx.wait()
    plsc.subcore_barrier()

    def body(i, carry):
        off = pl.multiple_of(i * KH, 8)
        pltpu.sync_copy(ones_v, hist.at[di.at[pl.ds(off, KH)]], add=True)
        return carry

    lax.fori_loop(0, NCHH, body, 0)

    @pl.when(REMH > 0)
    def _():
        pltpu.sync_copy(ones_v.at[pl.ds(0, REMH)],
                        hist.at[di.at[pl.ds(NCHH * KH, REMH)]], add=True)

    plsc.subcore_barrier()
    off = pl.multiple_of(cid * NP + sid * RPT, 8)
    pltpu.sync_copy(hist.at[pl.ds(sid * RPT, RPT)], out_hbm.at[pl.ds(off, RPT)])


OSPAN = 624
ZR = 32


@functools.partial(
    pl.kernel,
    out_type=jax.ShapeDtypeStruct((2 * N, H), jnp.float32),
    mesh=_mesh,
    scratch_types=[
        pltpu.VMEM((EPW,), jnp.int32),
        pltpu.VMEM((EPW,), jnp.int32),
        pltpu.VMEM((K, H), jnp.float32),
        pltpu.VMEM((K, H), jnp.float32),
        pltpu.VMEM((ZR, H), jnp.float32),
        pltpu.VMEM_SHARED((NP, H), jnp.float32),
        pltpu.SemaphoreType.DMA,
        pltpu.SemaphoreType.DMA,
        pltpu.SemaphoreType.DMA,
    ],
)
def _sc_edge_agg(src_hbm, dst_hbm, hs_hbm, out_hbm, si, di, ra, rb, zbuf,
                 acc, sga, sgb, sidx):
    cid = lax.axis_index("c")
    sid = lax.axis_index("s")
    wid = sid * 2 + cid
    base_w = pl.multiple_of(wid * EPW, 8)

    ci_a = pltpu.async_copy(src_hbm.at[pl.ds(base_w, EPW)], si, sidx)
    ci_b = pltpu.async_copy(dst_hbm.at[pl.ds(base_w, EPW)], di, sidx)

    z16 = jnp.zeros((16,), jnp.float32)

    def zb_body(j, carry):
        r = j // (H // 16)
        c = j - r * (H // 16)
        zbuf[r, pl.ds(c * 16, 16)] = z16
        return carry

    lax.fori_loop(0, ZR * (H // 16), zb_body, 0)

    for j in range(RPT // ZR):
        pltpu.sync_copy(zbuf, acc.at[pl.ds(sid * RPT + j * ZR, ZR)])
    ci_a.wait()
    ci_b.wait()
    plsc.subcore_barrier()

    def start_chunk(i, rv, sem):
        off = pl.multiple_of(i * K, 8)
        pltpu.async_copy(hs_hbm.at[si.at[pl.ds(off, K)]], rv, sem)

    def fin_chunk(i, rv, sem):
        pltpu.make_async_copy(hs_hbm.at[si.at[pl.ds(0, K)]], rv, sem).wait()
        off = pl.multiple_of(i * K, 8)
        pltpu.sync_copy(rv, acc.at[di.at[pl.ds(off, K)]], add=True)

    start_chunk(0, ra, sga)

    def body(p, carry):
        a = p * 2
        b = a + 1

        @pl.when(b < NCH)
        def _():
            start_chunk(b, rb, sgb)

        fin_chunk(a, ra, sga)

        @pl.when(b < NCH)
        def _():
            @pl.when(b + 1 < NCH)
            def _():
                start_chunk(b + 1, ra, sga)

            fin_chunk(b, rb, sgb)

        return carry

    lax.fori_loop(0, (NCH + 1) // 2, body, 0)

    plsc.subcore_barrier()

    @pl.when(sid < 15)
    def _():
        pltpu.sync_copy(acc.at[pl.ds(sid * OSPAN, OSPAN)],
                        out_hbm.at[pl.ds(cid * N + sid * OSPAN, OSPAN)])

    @pl.when(sid == 15)
    def _():
        pltpu.sync_copy(acc.at[pl.ds(15 * OSPAN, N - 15 * OSPAN)],
                        out_hbm.at[pl.ds(cid * N + 15 * OSPAN, N - 15 * OSPAN)])


def _tc_mm_body(x_ref, wpre_ref, wconv_ref, bpre_ref, h2_ref, wb, bb):
    i = pl.program_id(0)

    @pl.when(i == 0)
    def _():
        wb[...] = jnp.dot(wpre_ref[...], wconv_ref[...],
                          preferred_element_type=jnp.float32)
        bb[...] = jnp.dot(bpre_ref[...], wconv_ref[...],
                          preferred_element_type=jnp.float32)

    h2_ref[...] = jnp.dot(x_ref[...], wb[...],
                          preferred_element_type=jnp.float32) + bb[...]


def _tc_mm(x, W_pre, b_pre, W_conv):
    return pl.pallas_call(
        _tc_mm_body,
        grid=(NB,),
        in_specs=[
            pl.BlockSpec((R, D), lambda i: (i, 0)),
            pl.BlockSpec((D, H), lambda i: (0, 0)),
            pl.BlockSpec((D, H), lambda i: (0, 0)),
            pl.BlockSpec((1, D), lambda i: (0, 0)),
        ],
        out_specs=pl.BlockSpec((R, H), lambda i: (i, 0)),
        out_shape=jax.ShapeDtypeStruct((N, H), jnp.float32),
        scratch_shapes=[
            pltpu.VMEM((D, H), jnp.float32),
            pltpu.VMEM((1, H), jnp.float32),
        ],
    )(x, W_pre, W_conv, b_pre.reshape(1, D))


def _tc_scale_body(h2_ref, hist_ref, hs_ref, dinv_ref):
    i = pl.program_id(0)
    d0 = hist_ref[pl.ds(i * R, R), :]
    d1 = hist_ref[pl.ds(NP + i * R, R), :]
    deg = d0 + d1 + 1.0
    dinv = lax.rsqrt(jnp.maximum(deg, 1e-12))
    dinv_ref[...] = dinv
    hs_ref[...] = h2_ref[...] * dinv


def _tc_scale(h2, hist2d):
    return pl.pallas_call(
        _tc_scale_body,
        grid=(NB,),
        in_specs=[
            pl.BlockSpec((R, H), lambda i: (i, 0)),
            pl.BlockSpec((2 * NP, 1), lambda i: (0, 0)),
        ],
        out_specs=[
            pl.BlockSpec((R, H), lambda i: (i, 0)),
            pl.BlockSpec((R, 1), lambda i: (i, 0)),
        ],
        out_shape=[
            jax.ShapeDtypeStruct((N, H), jnp.float32),
            jax.ShapeDtypeStruct((N, 1), jnp.float32),
        ],
    )(h2, hist2d)


def _tc_tail_body(p0_ref, p1_ref, hs_ref, dinv_ref, bconv_ref, gamma_ref,
                  beta_ref, batch_ref, wpost_ref, bpost_ref, out_ref,
                  tbuf, acc, racc):
    p = pl.program_id(0)
    i = pl.program_id(1)

    @pl.when((p == 0) & (i == 0))
    def _():
        acc[...] = jnp.zeros_like(acc)
        racc[...] = jnp.zeros_like(racc)

    @pl.when(p == 0)
    def _():
        t = (dinv_ref[...] * (p0_ref[...] + p1_ref[...] + hs_ref[...])
             + bconv_ref[...])
        tbuf[pl.ds(i * R, R), :] = t
        acc[0:1, :] += jnp.sum(t, axis=0, keepdims=True)
        acc[1:2, :] += jnp.sum(t * t, axis=0, keepdims=True)

    @pl.when(p == 1)
    def _():
        mean = acc[0:1, :] / N
        msq = acc[1:2, :] / N
        var = msq - mean * mean
        inv = lax.rsqrt(var + 1e-5)
        scale = gamma_ref[...] * inv
        shift = beta_ref[...] - mean * scale

        ha = jnp.maximum(tbuf[pl.ds(i * R, R), :] * scale + shift, 0.0)
        gids = lax.broadcasted_iota(jnp.int32, (R, G), 1)
        onehot = jnp.where(batch_ref[...] == gids, 1.0, 0.0)
        racc[...] += lax.dot_general(onehot, ha, (((0,), (0,)), ((), ())),
                                     preferred_element_type=jnp.float32)

        @pl.when(i == NB - 1)
        def _():
            out_ref[...] = (jnp.dot(racc[...], wpost_ref[...],
                                    preferred_element_type=jnp.float32)
                            + bpost_ref[...])


def _tc_tail(aggp, hs, dinv, b_conv, gamma, beta, batch2d, W_post, b_post2d):
    return pl.pallas_call(
        _tc_tail_body,
        grid=(2, NB),
        in_specs=[
            pl.BlockSpec((R, H), lambda p, i: ((1 - p) * i, 0)),
            pl.BlockSpec((R, H), lambda p, i: ((1 - p) * i + NB, 0)),
            pl.BlockSpec((R, H), lambda p, i: ((1 - p) * i, 0)),
            pl.BlockSpec((R, 1), lambda p, i: ((1 - p) * i, 0)),
            pl.BlockSpec((1, H), lambda p, i: (0, 0)),
            pl.BlockSpec((1, H), lambda p, i: (0, 0)),
            pl.BlockSpec((1, H), lambda p, i: (0, 0)),
            pl.BlockSpec((R, 1), lambda p, i: (p * i, 0)),
            pl.BlockSpec((H, C), lambda p, i: (0, 0)),
            pl.BlockSpec((1, C), lambda p, i: (0, 0)),
        ],
        out_specs=pl.BlockSpec((G, C), lambda p, i: (0, 0)),
        out_shape=jax.ShapeDtypeStruct((G, C), jnp.float32),
        scratch_shapes=[
            pltpu.VMEM((N, H), jnp.float32),
            pltpu.VMEM((2, H), jnp.float32),
            pltpu.VMEM((G, H), jnp.float32),
        ],
    )(aggp, aggp, hs, dinv, b_conv.reshape(1, H), gamma.reshape(1, H),
      beta.reshape(1, H), batch2d, W_post, b_post2d)


def kernel(x, edge_index, batch, W_pre, b_pre, W_conv, b_conv, gamma, beta,
           W_post, b_post):
    src = edge_index[0]
    dst = edge_index[1]

    hist = _sc_degree(dst)
    h2 = _tc_mm(x, W_pre, b_pre, W_conv)

    hs, dinv = _tc_scale(h2, hist.reshape(2 * NP, 1))

    aggp = _sc_edge_agg(src, dst, hs)

    return _tc_tail(aggp, hs, dinv, b_conv, gamma, beta,
                    batch.reshape(N, 1), W_post, b_post.reshape(1, C))

# --- scband reference (transcript-rebuilt; emitter-appended) ---
"""Pipeline reference for scband-one-layer-micro-architecture-build-16784732192996 (READ-ONLY COPY).

The authoritative reference and input builder live on the scoring server;
editing this copy changes nothing except your own understanding.
"""

import jax, jax.numpy as jnp
import numpy as np

N = 10000      # nodes
E = 320000     # edges
D = 128        # num_node_features
H = 128        # hidden_dimension
C = 40         # num_classes
G = 64         # graphs in batch


def setup_inputs(seed: int = 0) -> dict:
    key = jax.random.key(seed)
    ks = jax.random.split(key, 12)
    x = jax.random.normal(ks[0], (N, D), dtype=jnp.float32)
    edge_index = jax.random.randint(ks[1], (2, E), 0, N, dtype=jnp.int32)
    batch = jnp.sort(jax.random.randint(ks[2], (N,), 0, G, dtype=jnp.int32))
    s = 1.0 / np.sqrt(D)
    W_pre = jax.random.normal(ks[3], (D, H), dtype=jnp.float32) * s
    b_pre = jnp.zeros((H,), dtype=jnp.float32)
    W_conv = jax.random.normal(ks[4], (H, H), dtype=jnp.float32) * (1.0 / np.sqrt(H))
    b_conv = jnp.zeros((H,), dtype=jnp.float32)
    gamma = jnp.ones((H,), dtype=jnp.float32)
    beta = jnp.zeros((H,), dtype=jnp.float32)
    W_post = jax.random.normal(ks[5], (H, C), dtype=jnp.float32) * (1.0 / np.sqrt(H))
    b_post = jnp.zeros((C,), dtype=jnp.float32)
    return {"x": x, "edge_index": edge_index, "batch": batch,
            "W_pre": W_pre, "b_pre": b_pre, "W_conv": W_conv, "b_conv": b_conv,
            "gamma": gamma, "beta": beta, "W_post": W_post, "b_post": b_post}


def reference(x, edge_index, batch, W_pre, b_pre, W_conv, b_conv, gamma, beta, W_post, b_post):
    # pre_process_mlp (Linear)
    h = x @ W_pre + b_pre
    # GCNConv: linear transform, then symmetric-normalized aggregation with self loops
    h = h @ W_conv
    src = edge_index[0]
    dst = edge_index[1]
    loop = jnp.arange(N, dtype=src.dtype)
    src2 = jnp.concatenate([src, loop])
    dst2 = jnp.concatenate([dst, loop])
    ones = jnp.ones(src2.shape[0], dtype=h.dtype)
    deg = jax.ops.segment_sum(ones, dst2, num_segments=N)
    dinv = jax.lax.rsqrt(jnp.maximum(deg, 1e-12))
    norm = dinv[src2] * dinv[dst2]
    msgs = h[src2] * norm[:, None]            # gather over edges
    agg = jax.ops.segment_sum(msgs, dst2, num_segments=N) + b_conv  # scatter-add
    # BatchNorm over nodes (batch statistics)
    mean = jnp.mean(agg, axis=0)
    var = jnp.var(agg, axis=0)
    hn = (agg - mean) / jnp.sqrt(var + 1e-5) * gamma + beta
    # ReLU activation
    ha = jax.nn.relu(hn)
    # sum pooling readout: scatter_add by graph id
    readout = jax.ops.segment_sum(ha, batch, num_segments=G)
    # post_process_mlp (Linear)
    out = readout @ W_post + b_post
    return out

if __name__ == "__main__":
    import jax
    _d = setup_inputs()
    print(jax.jit(kernel)(*tuple(_d.values())))

</pallas_src>

<mosaic_0001>
#map = affine_map<(d0, d1) -> (0)>
#map1 = affine_map<(d0, d1) -> (0, 0)>
module attributes {stable_mosaic.version = 14 : i64} {
  func.func @_sc_edge_agg(%arg0: i32, %arg1: i32, %arg2: memref<320000xi32, #tpu.memory_space<hbm>>, %arg3: memref<320000xi32, #tpu.memory_space<hbm>>, %arg4: memref<10000x128xf32, #tpu.memory_space<hbm>>, %arg5: memref<20000x128xf32, #tpu.memory_space<hbm>>, %arg6: memref<10000xi32, #tpu.memory_space<vmem>>, %arg7: memref<10000xi32, #tpu.memory_space<vmem>>, %arg8: memref<80x128xf32, #tpu.memory_space<vmem>>, %arg9: memref<80x128xf32, #tpu.memory_space<vmem>>, %arg10: memref<32x128xf32, #tpu.memory_space<vmem>>, %arg11: memref<10240x128xf32, #tpu.memory_space<vmem_shared>>, %arg12: memref<!tpu.dma_semaphore, #tpu.memory_space<semaphore_mem>>, %arg13: memref<!tpu.dma_semaphore, #tpu.memory_space<semaphore_mem>>, %arg14: memref<!tpu.dma_semaphore, #tpu.memory_space<semaphore_mem>>) attributes {dimension_semantics = [#tpu.dimension_semantics<core_parallel>, #tpu.dimension_semantics<subcore_parallel>], iteration_bounds = array<i64: 2, 16>, scalar_prefetch = 0 : i64, scratch_operands = 9 : i64, tpu.core_type = #tpu.core_type<sc_vector_subcore>, window_params = [{transform_indices = #map}, {transform_indices = #map}, {transform_indices = #map1}, {transform_indices = #map1}]} {
    %mul3A = arith.constant 2 : i32
    %mul3A_0 = arith.muli %arg1, %mul3A : i32
    %add3A = arith.addi %mul3A_0, %arg0 : i32
    %mul3A_1 = arith.constant 10000 : i32
    %mul3A_2 = arith.muli %add3A, %mul3A_1 : i32
    %multiple_of3A = tpu.assume_multiple %mul3A_2, 8 : i32
    %dma_start3A = tpu.memref_slice %arg2[%multiple_of3A] : memref<320000xi32, #tpu.memory_space<hbm>> -> memref<10000xi32, #tpu.memory_space<hbm>>
    %dma_start3A_3 = tpu.memref_slice %arg2[%multiple_of3A] : memref<320000xi32, #tpu.memory_space<hbm>> -> memref<10000xi32, #tpu.memory_space<hbm>>
    tpu.enqueue_dma source(%dma_start3A_3 : memref<10000xi32, #tpu.memory_space<hbm>>) target(%arg6 : memref<10000xi32, #tpu.memory_space<vmem>>) target_semaphore(%arg14 : memref<!tpu.dma_semaphore, #tpu.memory_space<semaphore_mem>>)
    %dma_start3A_4 = tpu.memref_slice %arg3[%multiple_of3A] : memref<320000xi32, #tpu.memory_space<hbm>> -> memref<10000xi32, #tpu.memory_space<hbm>>
    %dma_start3A_5 = tpu.memref_slice %arg3[%multiple_of3A] : memref<320000xi32, #tpu.memory_space<hbm>> -> memref<10000xi32, #tpu.memory_space<hbm>>
    tpu.enqueue_dma source(%dma_start3A_5 : memref<10000xi32, #tpu.memory_space<hbm>>) target(%arg7 : memref<10000xi32, #tpu.memory_space<vmem>>) target_semaphore(%arg14 : memref<!tpu.dma_semaphore, #tpu.memory_space<semaphore_mem>>)
    %broadcast_in_dim3A = arith.constant 0.000000e+00 : f32
    %broadcast_in_dim3A_6 = vector.broadcast %broadcast_in_dim3A : f32 to vector<16xf32>
    %scan3A = arith.constant 0 : i32
    %scan3A_7 = arith.constant 0 : i32
    %scan3A_8 = arith.constant 256 : i32
    %scan3A_9 = arith.addi %scan3A_7, %scan3A_8 : i32
    %scan3A_10 = arith.constant 1 : i32
    scf.for %scan3A_114 = %scan3A_7 to %scan3A_9 step %scan3A_10  : i32 {
      %jit3A = arith.constant 8 : i32
      %div3A = arith.divsi %scan3A_114, %jit3A : i32
      %sign3A = arith.constant 0 : i32
      %sign3A_115 = arith.cmpi sgt, %scan3A_114, %sign3A : i32
      %sign3A_116 = arith.extui %sign3A_115 : i1 to i32
      %sign3A_117 = arith.constant 0 : i32
      %sign3A_118 = arith.cmpi slt, %scan3A_114, %sign3A_117 : i32
      %sign3A_119 = arith.extui %sign3A_118 : i1 to i32
      %sign3A_120 = arith.subi %sign3A_116, %sign3A_119 : i32
      %sign3A_121 = arith.constant 0 : i32
      %sign3A_122 = arith.cmpi sgt, %jit3A, %sign3A_121 : i32
      %sign3A_123 = arith.extui %sign3A_122 : i1 to i32
      %sign3A_124 = arith.constant 0 : i32
      %sign3A_125 = arith.cmpi slt, %jit3A, %sign3A_124 : i32
      %sign3A_126 = arith.extui %sign3A_125 : i1 to i32
      %sign3A_127 = arith.subi %sign3A_123, %sign3A_126 : i32
      %ne3A = arith.cmpi ne, %sign3A_120, %sign3A_127 : i32
      %rem3A = arith.remsi %scan3A_114, %jit3A : i32
      %ne3A_128 = arith.constant 0 : i32
      %ne3A_129 = arith.cmpi ne, %rem3A, %ne3A_128 : i32
      %and3A = arith.andi %ne3A, %ne3A_129 : i1
      %sub3A = arith.constant 1 : i32
      %sub3A_130 = arith.subi %div3A, %sub3A : i32
      %select_n3A = arith.select %and3A, %sub3A_130, %div3A : i32
      %mul3A_131 = arith.constant 8 : i32
      %mul3A_132 = arith.muli %select_n3A, %mul3A_131 : i32
      %sub3A_133 = arith.subi %scan3A_114, %mul3A_132 : i32
      %mul3A_134 = arith.constant 16 : i32
      %mul3A_135 = arith.muli %sub3A_133, %mul3A_134 : i32
      %swap3A = arith.index_cast %select_n3A : i32 to index
      %swap3A_136 = arith.index_cast %mul3A_135 : i32 to index
      %swap3A_137 = tpu.vector_load %arg10[%swap3A, %swap3A_136] {strides = array<i32>} : memref<32x128xf32, #tpu.memory_space<vmem>>, vector<1x16xf32>,
      %swap3A_138 = vector.shape_cast %swap3A_137 : vector<1x16xf32> to vector<16xf32>
      %swap3A_139 = vector.shape_cast %broadcast_in_dim3A_6 : vector<16xf32> to vector<1x16xf32>
      tpu.vector_store %arg10[%swap3A, %swap3A_136], %swap3A_139 {strides = array<i32>} : memref<32x128xf32, #tpu.memory_space<vmem>>, vector<1x16xf32>,
    }
    %scan3A_11 = arith.constant 256 : i32
    %mul3A_12 = arith.constant 640 : i32
    %mul3A_13 = arith.muli %arg1, %mul3A_12 : i32
    %add3A_14 = arith.constant 0 : i32
    %add3A_15 = arith.addi %mul3A_13, %add3A_14 : i32
    "tpu.region"() ({
      %run_scoped3A = tpu.sem_alloc : memref<!tpu.dma_semaphore, #tpu.memory_space<semaphore_mem>>
      %dma_start3A_114 = arith.constant 0 : i32
      %dma_start3A_115 = tpu.memref_slice %arg11[%add3A_15, %dma_start3A_114] : memref<10240x128xf32, #tpu.memory_space<vmem_shared>> -> memref<32x128xf32, #tpu.memory_space<vmem_shared>>
      %dma_start3A_116 = arith.constant 0 : i32
      %dma_start3A_117 = tpu.memref_slice %arg11[%add3A_15, %dma_start3A_116] : memref<10240x128xf32, #tpu.memory_space<vmem_shared>> -> memref<32x128xf32, #tpu.memory_space<vmem_shared>>
      tpu.enqueue_dma source(%arg10 : memref<32x128xf32, #tpu.memory_space<vmem>>) target(%dma_start3A_117 : memref<32x128xf32, #tpu.memory_space<vmem_shared>>) target_semaphore(%run_scoped3A : memref<!tpu.dma_semaphore, #tpu.memory_space<semaphore_mem>>)
      %dma_wait3A_118 = arith.constant 0 : i32
      %dma_wait3A_119 = tpu.memref_slice %arg11[%add3A_15, %dma_wait3A_118] : memref<10240x128xf32, #tpu.memory_space<vmem_shared>> -> memref<32x128xf32, #tpu.memory_space<vmem_shared>>
      %dma_wait3A_120 = arith.constant 0 : i32
      %dma_wait3A_121 = tpu.memref_slice %arg11[%add3A_15, %dma_wait3A_120] : memref<10240x128xf32, #tpu.memory_space<vmem_shared>> -> memref<32x128xf32, #tpu.memory_space<vmem_shared>>
      tpu.wait_dma2 semaphore(%run_scoped3A : memref<!tpu.dma_semaphore, #tpu.memory_space<semaphore_mem>>) src(%arg10 : memref<32x128xf32, #tpu.memory_space<vmem>>) dst(%dma_wait3A_121 : memref<32x128xf32, #tpu.memory_space<vmem_shared>>)
      tpu.yield
    }) : () -> ()
    %mul3A_16 = arith.constant 640 : i32
    %mul3A_17 = arith.muli %arg1, %mul3A_16 : i32
    %add3A_18 = arith.constant 32 : i32
    %add3A_19 = arith.addi %mul3A_17, %add3A_18 : i32
    "tpu.region"() ({
      %run_scoped3A = tpu.sem_alloc : memref<!tpu.dma_semaphore, #tpu.memory_space<semaphore_mem>>
      %dma_start3A_114 = arith.constant 0 : i32
      %dma_start3A_115 = tpu.memref_slice %arg11[%add3A_19, %dma_start3A_114] : memref<10240x128xf32, #tpu.memory_space<vmem_shared>> -> memref<32x128xf32, #tpu.memory_space<vmem_shared>>
      %dma_start3A_116 = arith.constant 0 : i32
      %dma_start3A_117 = tpu.memref_slice %arg11[%add3A_19, %dma_start3A_116] : memref<10240x128xf32, #tpu.memory_space<vmem_shared>> -> memref<32x128xf32, #tpu.memory_space<vmem_shared>>
      tpu.enqueue_dma source(%arg10 : memref<32x128xf32, #tpu.memory_space<vmem>>) target(%dma_start3A_117 : memref<32x128xf32, #tpu.memory_space<vmem_shared>>) target_semaphore(%run_scoped3A : memref<!tpu.dma_semaphore, #tpu.memory_space<semaphore_mem>>)
      %dma_wait3A_118 = arith.constant 0 : i32
      %dma_wait3A_119 = tpu.memref_slice %arg11[%add3A_19, %dma_wait3A_118] : memref<10240x128xf32, #tpu.memory_space<vmem_shared>> -> memref<32x128xf32, #tpu.memory_space<vmem_shared>>
      %dma_wait3A_120 = arith.constant 0 : i32
      %dma_wait3A_121 = tpu.memref_slice %arg11[%add3A_19, %dma_wait3A_120] : memref<10240x128xf32, #tpu.memory_space<vmem_shared>> -> memref<32x128xf32, #tpu.memory_space<vmem_shared>>
      tpu.wait_dma2 semaphore(%run_scoped3A : memref<!tpu.dma_semaphore, #tpu.memory_space<semaphore_mem>>) src(%arg10 : memref<32x128xf32, #tpu.memory_space<vmem>>) dst(%dma_wait3A_121 : memref<32x128xf32, #tpu.memory_space<vmem_shared>>)
      tpu.yield
    }) : () -> ()
    %mul3A_20 = arith.constant 640 : i32
    %mul3A_21 = arith.muli %arg1, %mul3A_20 : i32
    %add3A_22 = arith.constant 64 : i32
    %add3A_23 = arith.addi %mul3A_21, %add3A_22 : i32
    "tpu.region"() ({
      %run_scoped3A = tpu.sem_alloc : memref<!tpu.dma_semaphore, #tpu.memory_space<semaphore_mem>>
      %dma_start3A_114 = arith.constant 0 : i32
      %dma_start3A_115 = tpu.memref_slice %arg11[%add3A_23, %dma_start3A_114] : memref<10240x128xf32, #tpu.memory_space<vmem_shared>> -> memref<32x128xf32, #tpu.memory_space<vmem_shared>>
      %dma_start3A_116 = arith.constant 0 : i32
      %dma_start3A_117 = tpu.memref_slice %arg11[%add3A_23, %dma_start3A_116] : memref<10240x128xf32, #tpu.memory_space<vmem_shared>> -> memref<32x128xf32, #tpu.memory_space<vmem_shared>>
      tpu.enqueue_dma source(%arg10 : memref<32x128xf32, #tpu.memory_space<vmem>>) target(%dma_start3A_117 : memref<32x128xf32, #tpu.memory_space<vmem_shared>>) target_semaphore(%run_scoped3A : memref<!tpu.dma_semaphore, #tpu.memory_space<semaphore_mem>>)
      %dma_wait3A_118 = arith.constant 0 : i32
      %dma_wait3A_119 = tpu.memref_slice %arg11[%add3A_23, %dma_wait3A_118] : memref<10240x128xf32, #tpu.memory_space<vmem_shared>> -> memref<32x128xf32, #tpu.memory_space<vmem_shared>>
      %dma_wait3A_120 = arith.constant 0 : i32
      %dma_wait3A_121 = tpu.memref_slice %arg11[%add3A_23, %dma_wait3A_120] : memref<10240x128xf32, #tpu.memory_space<vmem_shared>> -> memref<32x128xf32, #tpu.memory_space<vmem_shared>>
      tpu.wait_dma2 semaphore(%run_scoped3A : memref<!tpu.dma_semaphore, #tpu.memory_space<semaphore_mem>>) src(%arg10 : memref<32x128xf32, #tpu.memory_space<vmem>>) dst(%dma_wait3A_121 : memref<32x128xf32, #tpu.memory_space<vmem_shared>>)
      tpu.yield
    }) : () -> ()
    %mul3A_24 = arith.constant 640 : i32
    %mul3A_25 = arith.muli %arg1, %mul3A_24 : i32
    %add3A_26 = arith.constant 96 : i32
    %add3A_27 = arith.addi %mul3A_25, %add3A_26 : i32
    "tpu.region"() ({
      %run_scoped3A = tpu.sem_alloc : memref<!tpu.dma_semaphore, #tpu.memory_space<semaphore_mem>>
      %dma_start3A_114 = arith.constant 0 : i32
      %dma_start3A_115 = tpu.memref_slice %arg11[%add3A_27, %dma_start3A_114] : memref<10240x128xf32, #tpu.memory_space<vmem_shared>> -> memref<32x128xf32, #tpu.memory_space<vmem_shared>>
      %dma_start3A_116 = arith.constant 0 : i32
      %dma_start3A_117 = tpu.memref_slice %arg11[%add3A_27, %dma_start3A_116] : memref<10240x128xf32, #tpu.memory_space<vmem_shared>> -> memref<32x128xf32, #tpu.memory_space<vmem_shared>>
      tpu.enqueue_dma source(%arg10 : memref<32x128xf32, #tpu.memory_space<vmem>>) target(%dma_start3A_117 : memref<32x128xf32, #tpu.memory_space<vmem_shared>>) target_semaphore(%run_scoped3A : memref<!tpu.dma_semaphore, #tpu.memory_space<semaphore_mem>>)
      %dma_wait3A_118 = arith.constant 0 : i32
      %dma_wait3A_119 = tpu.memref_slice %arg11[%add3A_27, %dma_wait3A_118] : memref<10240x128xf32, #tpu.memory_space<vmem_shared>> -> memref<32x128xf32, #tpu.memory_space<vmem_shared>>
      %dma_wait3A_120 = arith.constant 0 : i32
      %dma_wait3A_121 = tpu.memref_slice %arg11[%add3A_27, %dma_wait3A_120] : memref<10240x128xf32, #tpu.memory_space<vmem_shared>> -> memref<32x128xf32, #tpu.memory_space<vmem_shared>>
      tpu.wait_dma2 semaphore(%run_scoped3A : memref<!tpu.dma_semaphore, #tpu.memory_space<semaphore_mem>>) src(%arg10 : memref<32x128xf32, #tpu.memory_space<vmem>>) dst(%dma_wait3A_121 : memref<32x128xf32, #tpu.memory_space<vmem_shared>>)
      tpu.yield
    }) : () -> ()
    %mul3A_28 = arith.constant 640 : i32
    %mul3A_29 = arith.muli %arg1, %mul3A_28 : i32
    %add3A_30 = arith.constant 128 : i32
    %add3A_31 = arith.addi %mul3A_29, %add3A_30 : i32
    "tpu.region"() ({
      %run_scoped3A = tpu.sem_alloc : memref<!tpu.dma_semaphore, #tpu.memory_space<semaphore_mem>>
      %dma_start3A_114 = arith.constant 0 : i32
      %dma_start3A_115 = tpu.memref_slice %arg11[%add3A_31, %dma_start3A_114] : memref<10240x128xf32, #tpu.memory_space<vmem_shared>> -> memref<32x128xf32, #tpu.memory_space<vmem_shared>>
      %dma_start3A_116 = arith.constant 0 : i32
      %dma_start3A_117 = tpu.memref_slice %arg11[%add3A_31, %dma_start3A_116] : memref<10240x128xf32, #tpu.memory_space<vmem_shared>> -> memref<32x128xf32, #tpu.memory_space<vmem_shared>>
      tpu.enqueue_dma source(%arg10 : memref<32x128xf32, #tpu.memory_space<vmem>>) target(%dma_start3A_117 : memref<32x128xf32, #tpu.memory_space<vmem_shared>>) target_semaphore(%run_scoped3A : memref<!tpu.dma_semaphore, #tpu.memory_space<semaphore_mem>>)
      %dma_wait3A_118 = arith.constant 0 : i32
      %dma_wait3A_119 = tpu.memref_slice %arg11[%add3A_31, %dma_wait3A_118] : memref<10240x128xf32, #tpu.memory_space<vmem_shared>> -> memref<32x128xf32, #tpu.memory_space<vmem_shared>>
      %dma_wait3A_120 = arith.constant 0 : i32
      %dma_wait3A_121 = tpu.memref_slice %arg11[%add3A_31, %dma_wait3A_120] : memref<10240x128xf32, #tpu.memory_space<vmem_shared>> -> memref<32x128xf32, #tpu.memory_space<vmem_shared>>
      tpu.wait_dma2 semaphore(%run_scoped3A : memref<!tpu.dma_semaphore, #tpu.memory_space<semaphore_mem>>) src(%arg10 : memref<32x128xf32, #tpu.memory_space<vmem>>) dst(%dma_wait3A_121 : memref<32x128xf32, #tpu.memory_space<vmem_shared>>)
      tpu.yield
    }) : () -> ()
    %mul3A_32 = arith.constant 640 : i32
    %mul3A_33 = arith.muli %arg1, %mul3A_32 : i32
    %add3A_34 = arith.constant 160 : i32
    %add3A_35 = arith.addi %mul3A_33, %add3A_34 : i32
    "tpu.region"() ({
      %run_scoped3A = tpu.sem_alloc : memref<!tpu.dma_semaphore, #tpu.memory_space<semaphore_mem>>
      %dma_start3A_114 = arith.constant 0 : i32
      %dma_start3A_115 = tpu.memref_slice %arg11[%add3A_35, %dma_start3A_114] : memref<10240x128xf32, #tpu.memory_space<vmem_shared>> -> memref<32x128xf32, #tpu.memory_space<vmem_shared>>
      %dma_start3A_116 = arith.constant 0 : i32
      %dma_start3A_117 = tpu.memref_slice %arg11[%add3A_35, %dma_start3A_116] : memref<10240x128xf32, #tpu.memory_space<vmem_shared>> -> memref<32x128xf32, #tpu.memory_space<vmem_shared>>
      tpu.enqueue_dma source(%arg10 : memref<32x128xf32, #tpu.memory_space<vmem>>) target(%dma_start3A_117 : memref<32x128xf32, #tpu.memory_space<vmem_shared>>) target_semaphore(%run_scoped3A : memref<!tpu.dma_semaphore, #tpu.memory_space<semaphore_mem>>)
      %dma_wait3A_118 = arith.constant 0 : i32
      %dma_wait3A_119 = tpu.memref_slice %arg11[%add3A_35, %dma_wait3A_118] : memref<10240x128xf32, #tpu.memory_space<vmem_shared>> -> memref<32x128xf32, #tpu.memory_space<vmem_shared>>
      %dma_wait3A_120 = arith.constant 0 : i32
      %dma_wait3A_121 = tpu.memref_slice %arg11[%add3A_35, %dma_wait3A_120] : memref<10240x128xf32, #tpu.memory_space<vmem_shared>> -> memref<32x128xf32, #tpu.memory_space<vmem_shared>>
      tpu.wait_dma2 semaphore(%run_scoped3A : memref<!tpu.dma_semaphore, #tpu.memory_space<semaphore_mem>>) src(%arg10 : memref<32x128xf32, #tpu.memory_space<vmem>>) dst(%dma_wait3A_121 : memref<32x128xf32, #tpu.memory_space<vmem_shared>>)
      tpu.yield
    }) : () -> ()
    %mul3A_36 = arith.constant 640 : i32
    %mul3A_37 = arith.muli %arg1, %mul3A_36 : i32
    %add3A_38 = arith.constant 192 : i32
    %add3A_39 = arith.addi %mul3A_37, %add3A_38 : i32
    "tpu.region"() ({
      %run_scoped3A = tpu.sem_alloc : memref<!tpu.dma_semaphore, #tpu.memory_space<semaphore_mem>>
      %dma_start3A_114 = arith.constant 0 : i32
      %dma_start3A_115 = tpu.memref_slice %arg11[%add3A_39, %dma_start3A_114] : memref<10240x128xf32, #tpu.memory_space<vmem_shared>> -> memref<32x128xf32, #tpu.memory_space<vmem_shared>>
      %dma_start3A_116 = arith.constant 0 : i32
      %dma_start3A_117 = tpu.memref_slice %arg11[%add3A_39, %dma_start3A_116] : memref<10240x128xf32, #tpu.memory_space<vmem_shared>> -> memref<32x128xf32, #tpu.memory_space<vmem_shared>>
      tpu.enqueue_dma source(%arg10 : memref<32x128xf32, #tpu.memory_space<vmem>>) target(%dma_start3A_117 : memref<32x128xf32, #tpu.memory_space<vmem_shared>>) target_semaphore(%run_scoped3A : memref<!tpu.dma_semaphore, #tpu.memory_space<semaphore_mem>>)
      %dma_wait3A_118 = arith.constant 0 : i32
      %dma_wait3A_119 = tpu.memref_slice %arg11[%add3A_39, %dma_wait3A_118] : memref<10240x128xf32, #tpu.memory_space<vmem_shared>> -> memref<32x128xf32, #tpu.memory_space<vmem_shared>>
      %dma_wait3A_120 = arith.constant 0 : i32
      %dma_wait3A_121 = tpu.memref_slice %arg11[%add3A_39, %dma_wait3A_120] : memref<10240x128xf32, #tpu.memory_space<vmem_shared>> -> memref<32x128xf32, #tpu.memory_space<vmem_shared>>
      tpu.wait_dma2 semaphore(%run_scoped3A : memref<!tpu.dma_semaphore, #tpu.memory_space<semaphore_mem>>) src(%arg10 : memref<32x128xf32, #tpu.memory_space<vmem>>) dst(%dma_wait3A_121 : memref<32x128xf32, #tpu.memory_space<vmem_shared>>)
      tpu.yield
    }) : () -> ()
    %mul3A_40 = arith.constant 640 : i32
    %mul3A_41 = arith.muli %arg1, %mul3A_40 : i32
    %add3A_42 = arith.constant 224 : i32
    %add3A_43 = arith.addi %mul3A_41, %add3A_42 : i32
    "tpu.region"() ({
      %run_scoped3A = tpu.sem_alloc : memref<!tpu.dma_semaphore, #tpu.memory_space<semaphore_mem>>
      %dma_start3A_114 = arith.constant 0 : i32
      %dma_start3A_115 = tpu.memref_slice %arg11[%add3A_43, %dma_start3A_114] : memref<10240x128xf32, #tpu.memory_space<vmem_shared>> -> memref<32x128xf32, #tpu.memory_space<vmem_shared>>
      %dma_start3A_116 = arith.constant 0 : i32
      %dma_start3A_117 = tpu.memref_slice %arg11[%add3A_43, %dma_start3A_116] : memref<10240x128xf32, #tpu.memory_space<vmem_shared>> -> memref<32x128xf32, #tpu.memory_space<vmem_shared>>
      tpu.enqueue_dma source(%arg10 : memref<32x128xf32, #tpu.memory_space<vmem>>) target(%dma_start3A_117 : memref<32x128xf32, #tpu.memory_space<vmem_shared>>) target_semaphore(%run_scoped3A : memref<!tpu.dma_semaphore, #tpu.memory_space<semaphore_mem>>)
      %dma_wait3A_118 = arith.constant 0 : i32
      %dma_wait3A_119 = tpu.memref_slice %arg11[%add3A_43, %dma_wait3A_118] : memref<10240x128xf32, #tpu.memory_space<vmem_shared>> -> memref<32x128xf32, #tpu.memory_space<vmem_shared>>
      %dma_wait3A_120 = arith.constant 0 : i32
      %dma_wait3A_121 = tpu.memref_slice %arg11[%add3A_43, %dma_wait3A_120] : memref<10240x128xf32, #tpu.memory_space<vmem_shared>> -> memref<32x128xf32, #tpu.memory_space<vmem_shared>>
      tpu.wait_dma2 semaphore(%run_scoped3A : memref<!tpu.dma_semaphore, #tpu.memory_space<semaphore_mem>>) src(%arg10 : memref<32x128xf32, #tpu.memory_space<vmem>>) dst(%dma_wait3A_121 : memref<32x128xf32, #tpu.memory_space<vmem_shared>>)
      tpu.yield
    }) : () -> ()
    %mul3A_44 = arith.constant 640 : i32
    %mul3A_45 = arith.muli %arg1, %mul3A_44 : i32
    %add3A_46 = arith.constant 256 : i32
    %add3A_47 = arith.addi %mul3A_45, %add3A_46 : i32
    "tpu.region"() ({
      %run_scoped3A = tpu.sem_alloc : memref<!tpu.dma_semaphore, #tpu.memory_space<semaphore_mem>>
      %dma_start3A_114 = arith.constant 0 : i32
      %dma_start3A_115 = tpu.memref_slice %arg11[%add3A_47, %dma_start3A_114] : memref<10240x128xf32, #tpu.memory_space<vmem_shared>> -> memref<32x128xf32, #tpu.memory_space<vmem_shared>>
      %dma_start3A_116 = arith.constant 0 : i32
      %dma_start3A_117 = tpu.memref_slice %arg11[%add3A_47, %dma_start3A_116] : memref<10240x128xf32, #tpu.memory_space<vmem_shared>> -> memref<32x128xf32, #tpu.memory_space<vmem_shared>>
      tpu.enqueue_dma source(%arg10 : memref<32x128xf32, #tpu.memory_space<vmem>>) target(%dma_start3A_117 : memref<32x128xf32, #tpu.memory_space<vmem_shared>>) target_semaphore(%run_scoped3A : memref<!tpu.dma_semaphore, #tpu.memory_space<semaphore_mem>>)
      %dma_wait3A_118 = arith.constant 0 : i32
      %dma_wait3A_119 = tpu.memref_slice %arg11[%add3A_47, %dma_wait3A_118] : memref<10240x128xf32, #tpu.memory_space<vmem_shared>> -> memref<32x128xf32, #tpu.memory_space<vmem_shared>>
      %dma_wait3A_120 = arith.constant 0 : i32
      %dma_wait3A_121 = tpu.memref_slice %arg11[%add3A_47, %dma_wait3A_120] : memref<10240x128xf32, #tpu.memory_space<vmem_shared>> -> memref<32x128xf32, #tpu.memory_space<vmem_shared>>
      tpu.wait_dma2 semaphore(%run_scoped3A : memref<!tpu.dma_semaphore, #tpu.memory_space<semaphore_mem>>) src(%arg10 : memref<32x128xf32, #tpu.memory_space<vmem>>) dst(%dma_wait3A_121 : memref<32x128xf32, #tpu.memory_space<vmem_shared>>)
      tpu.yield
    }) : () -> ()
    %mul3A_48 = arith.constant 640 : i32
    %mul3A_49 = arith.muli %arg1, %mul3A_48 : i32
    %add3A_50 = arith.constant 288 : i32
    %add3A_51 = arith.addi %mul3A_49, %add3A_50 : i32
    "tpu.region"() ({
      %run_scoped3A = tpu.sem_alloc : memref<!tpu.dma_semaphore, #tpu.memory_space<semaphore_mem>>
      %dma_start3A_114 = arith.constant 0 : i32
      %dma_start3A_115 = tpu.memref_slice %arg11[%add3A_51, %dma_start3A_114] : memref<10240x128xf32, #tpu.memory_space<vmem_shared>> -> memref<32x128xf32, #tpu.memory_space<vmem_shared>>
      %dma_start3A_116 = arith.constant 0 : i32
      %dma_start3A_117 = tpu.memref_slice %arg11[%add3A_51, %dma_start3A_116] : memref<10240x128xf32, #tpu.memory_space<vmem_shared>> -> memref<32x128xf32, #tpu.memory_space<vmem_shared>>
      tpu.enqueue_dma source(%arg10 : memref<32x128xf32, #tpu.memory_space<vmem>>) target(%dma_start3A_117 : memref<32x128xf32, #tpu.memory_space<vmem_shared>>) target_semaphore(%run_scoped3A : memref<!tpu.dma_semaphore, #tpu.memory_space<semaphore_mem>>)
      %dma_wait3A_118 = arith.constant 0 : i32
      %dma_wait3A_119 = tpu.memref_slice %arg11[%add3A_51, %dma_wait3A_118] : memref<10240x128xf32, #tpu.memory_space<vmem_shared>> -> memref<32x128xf32, #tpu.memory_space<vmem_shared>>
      %dma_wait3A_120 = arith.constant 0 : i32
      %dma_wait3A_121 = tpu.memref_slice %arg11[%add3A_51, %dma_wait3A_120] : memref<10240x128xf32, #tpu.memory_space<vmem_shared>> -> memref<32x128xf32, #tpu.memory_space<vmem_shared>>
      tpu.wait_dma2 semaphore(%run_scoped3A : memref<!tpu.dma_semaphore, #tpu.memory_space<semaphore_mem>>) src(%arg10 : memref<32x128xf32, #tpu.memory_space<vmem>>) dst(%dma_wait3A_121 : memref<32x128xf32, #tpu.memory_space<vmem_shared>>)
      tpu.yield
    }) : () -> ()
    %mul3A_52 = arith.constant 640 : i32
    %mul3A_53 = arith.muli %arg1, %mul3A_52 : i32
    %add3A_54 = arith.constant 320 : i32
    %add3A_55 = arith.addi %mul3A_53, %add3A_54 : i32
    "tpu.region"() ({
      %run_scoped3A = tpu.sem_alloc : memref<!tpu.dma_semaphore, #tpu.memory_space<semaphore_mem>>
      %dma_start3A_114 = arith.constant 0 : i32
      %dma_start3A_115 = tpu.memref_slice %arg11[%add3A_55, %dma_start3A_114] : memref<10240x128xf32, #tpu.memory_space<vmem_shared>> -> memref<32x128xf32, #tpu.memory_space<vmem_shared>>
      %dma_start3A_116 = arith.constant 0 : i32
      %dma_start3A_117 = tpu.memref_slice %arg11[%add3A_55, %dma_start3A_116] : memref<10240x128xf32, #tpu.memory_space<vmem_shared>> -> memref<32x128xf32, #tpu.memory_space<vmem_shared>>
      tpu.enqueue_dma source(%arg10 : memref<32x128xf32, #tpu.memory_space<vmem>>) target(%dma_start3A_117 : memref<32x128xf32, #tpu.memory_space<vmem_shared>>) target_semaphore(%run_scoped3A : memref<!tpu.dma_semaphore, #tpu.memory_space<semaphore_mem>>)
      %dma_wait3A_118 = arith.constant 0 : i32
      %dma_wait3A_119 = tpu.memref_slice %arg11[%add3A_55, %dma_wait3A_118] : memref<10240x128xf32, #tpu.memory_space<vmem_shared>> -> memref<32x128xf32, #tpu.memory_space<vmem_shared>>
      %dma_wait3A_120 = arith.constant 0 : i32
      %dma_wait3A_121 = tpu.memref_slice %arg11[%add3A_55, %dma_wait3A_120] : memref<10240x128xf32, #tpu.memory_space<vmem_shared>> -> memref<32x128xf32, #tpu.memory_space<vmem_shared>>
      tpu.wait_dma2 semaphore(%run_scoped3A : memref<!tpu.dma_semaphore, #tpu.memory_space<semaphore_mem>>) src(%arg10 : memref<32x128xf32, #tpu.memory_space<vmem>>) dst(%dma_wait3A_121 : memref<32x128xf32, #tpu.memory_space<vmem_shared>>)
      tpu.yield
    }) : () -> ()
    %mul3A_56 = arith.constant 640 : i32
    %mul3A_57 = arith.muli %arg1, %mul3A_56 : i32
    %add3A_58 = arith.constant 352 : i32
    %add3A_59 = arith.addi %mul3A_57, %add3A_58 : i32
    "tpu.region"() ({
      %run_scoped3A = tpu.sem_alloc : memref<!tpu.dma_semaphore, #tpu.memory_space<semaphore_mem>>
      %dma_start3A_114 = arith.constant 0 : i32
      %dma_start3A_115 = tpu.memref_slice %arg11[%add3A_59, %dma_start3A_114] : memref<10240x128xf32, #tpu.memory_space<vmem_shared>> -> memref<32x128xf32, #tpu.memory_space<vmem_shared>>
      %dma_start3A_116 = arith.constant 0 : i32
      %dma_start3A_117 = tpu.memref_slice %arg11[%add3A_59, %dma_start3A_116] : memref<10240x128xf32, #tpu.memory_space<vmem_shared>> -> memref<32x128xf32, #tpu.memory_space<vmem_shared>>
      tpu.enqueue_dma source(%arg10 : memref<32x128xf32, #tpu.memory_space<vmem>>) target(%dma_start3A_117 : memref<32x128xf32, #tpu.memory_space<vmem_shared>>) target_semaphore(%run_scoped3A : memref<!tpu.dma_semaphore, #tpu.memory_space<semaphore_mem>>)
      %dma_wait3A_118 = arith.constant 0 : i32
      %dma_wait3A_119 = tpu.memref_slice %arg11[%add3A_59, %dma_wait3A_118] : memref<10240x128xf32, #tpu.memory_space<vmem_shared>> -> memref<32x128xf32, #tpu.memory_space<vmem_shared>>
      %dma_wait3A_120 = arith.constant 0 : i32
      %dma_wait3A_121 = tpu.memref_slice %arg11[%add3A_59, %dma_wait3A_120] : memref<10240x128xf32, #tpu.memory_space<vmem_shared>> -> memref<32x128xf32, #tpu.memory_space<vmem_shared>>
      tpu.wait_dma2 semaphore(%run_scoped3A : memref<!tpu.dma_semaphore, #tpu.memory_space<semaphore_mem>>) src(%arg10 : memref<32x128xf32, #tpu.memory_space<vmem>>) dst(%dma_wait3A_121 : memref<32x128xf32, #tpu.memory_space<vmem_shared>>)
      tpu.yield
    }) : () -> ()
    %mul3A_60 = arith.constant 640 : i32
    %mul3A_61 = arith.muli %arg1, %mul3A_60 : i32
    %add3A_62 = arith.constant 384 : i32
    %add3A_63 = arith.addi %mul3A_61, %add3A_62 : i32
    "tpu.region"() ({
      %run_scoped3A = tpu.sem_alloc : memref<!tpu.dma_semaphore, #tpu.memory_space<semaphore_mem>>
      %dma_start3A_114 = arith.constant 0 : i32
      %dma_start3A_115 = tpu.memref_slice %arg11[%add3A_63, %dma_start3A_114] : memref<10240x128xf32, #tpu.memory_space<vmem_shared>> -> memref<32x128xf32, #tpu.memory_space<vmem_shared>>
      %dma_start3A_116 = arith.constant 0 : i32
      %dma_start3A_117 = tpu.memref_slice %arg11[%add3A_63, %dma_start3A_116] : memref<10240x128xf32, #tpu.memory_space<vmem_shared>> -> memref<32x128xf32, #tpu.memory_space<vmem_shared>>
      tpu.enqueue_dma source(%arg10 : memref<32x128xf32, #tpu.memory_space<vmem>>) target(%dma_start3A_117 : memref<32x128xf32, #tpu.memory_space<vmem_shared>>) target_semaphore(%run_scoped3A : memref<!tpu.dma_semaphore, #tpu.memory_space<semaphore_mem>>)
      %dma_wait3A_118 = arith.constant 0 : i32
      %dma_wait3A_119 = tpu.memref_slice %arg11[%add3A_63, %dma_wait3A_118] : memref<10240x128xf32, #tpu.memory_space<vmem_shared>> -> memref<32x128xf32, #tpu.memory_space<vmem_shared>>
      %dma_wait3A_120 = arith.constant 0 : i32
      %dma_wait3A_121 = tpu.memref_slice %arg11[%add3A_63, %dma_wait3A_120] : memref<10240x128xf32, #tpu.memory_space<vmem_shared>> -> memref<32x128xf32, #tpu.memory_space<vmem_shared>>
      tpu.wait_dma2 semaphore(%run_scoped3A : memref<!tpu.dma_semaphore, #tpu.memory_space<semaphore_mem>>) src(%arg10 : memref<32x128xf32, #tpu.memory_space<vmem>>) dst(%dma_wait3A_121 : memref<32x128xf32, #tpu.memory_space<vmem_shared>>)
      tpu.yield
    }) : () -> ()
    %mul3A_64 = arith.constant 640 : i32
    %mul3A_65 = arith.muli %arg1, %mul3A_64 : i32
    %add3A_66 = arith.constant 416 : i32
    %add3A_67 = arith.addi %mul3A_65, %add3A_66 : i32
    "tpu.region"() ({
      %run_scoped3A = tpu.sem_alloc : memref<!tpu.dma_semaphore, #tpu.memory_space<semaphore_mem>>
      %dma_start3A_114 = arith.constant 0 : i32
      %dma_start3A_115 = tpu.memref_slice %arg11[%add3A_67, %dma_start3A_114] : memref<10240x128xf32, #tpu.memory_space<vmem_shared>> -> memref<32x128xf32, #tpu.memory_space<vmem_shared>>
      %dma_start3A_116 = arith.constant 0 : i32
      %dma_start3A_117 = tpu.memref_slice %arg11[%add3A_67, %dma_start3A_116] : memref<10240x128xf32, #tpu.memory_space<vmem_shared>> -> memref<32x128xf32, #tpu.memory_space<vmem_shared>>
      tpu.enqueue_dma source(%arg10 : memref<32x128xf32, #tpu.memory_space<vmem>>) target(%dma_start3A_117 : memref<32x128xf32, #tpu.memory_space<vmem_shared>>) target_semaphore(%run_scoped3A : memref<!tpu.dma_semaphore, #tpu.memory_space<semaphore_mem>>)
      %dma_wait3A_118 = arith.constant 0 : i32
      %dma_wait3A_119 = tpu.memref_slice %arg11[%add3A_67, %dma_wait3A_118] : memref<10240x128xf32, #tpu.memory_space<vmem_shared>> -> memref<32x128xf32, #tpu.memory_space<vmem_shared>>
      %dma_wait3A_120 = arith.constant 0 : i32
      %dma_wait3A_121 = tpu.memref_slice %arg11[%add3A_67, %dma_wait3A_120] : memref<10240x128xf32, #tpu.memory_space<vmem_shared>> -> memref<32x128xf32, #tpu.memory_space<vmem_shared>>
      tpu.wait_dma2 semaphore(%run_scoped3A : memref<!tpu.dma_semaphore, #tpu.memory_space<semaphore_mem>>) src(%arg10 : memref<32x128xf32, #tpu.memory_space<vmem>>) dst(%dma_wait3A_121 : memref<32x128xf32, #tpu.memory_space<vmem_shared>>)
      tpu.yield
    }) : () -> ()
    %mul3A_68 = arith.constant 640 : i32
    %mul3A_69 = arith.muli %arg1, %mul3A_68 : i32
    %add3A_70 = arith.constant 448 : i32
    %add3A_71 = arith.addi %mul3A_69, %add3A_70 : i32
    "tpu.region"() ({
      %run_scoped3A = tpu.sem_alloc : memref<!tpu.dma_semaphore, #tpu.memory_space<semaphore_mem>>
      %dma_start3A_114 = arith.constant 0 : i32
      %dma_start3A_115 = tpu.memref_slice %arg11[%add3A_71, %dma_start3A_114] : memref<10240x128xf32, #tpu.memory_space<vmem_shared>> -> memref<32x128xf32, #tpu.memory_space<vmem_shared>>
      %dma_start3A_116 = arith.constant 0 : i32
      %dma_start3A_117 = tpu.memref_slice %arg11[%add3A_71, %dma_start3A_116] : memref<10240x128xf32, #tpu.memory_space<vmem_shared>> -> memref<32x128xf32, #tpu.memory_space<vmem_shared>>
      tpu.enqueue_dma source(%arg10 : memref<32x128xf32, #tpu.memory_space<vmem>>) target(%dma_start3A_117 : memref<32x128xf32, #tpu.memory_space<vmem_shared>>) target_semaphore(%run_scoped3A : memref<!tpu.dma_semaphore, #tpu.memory_space<semaphore_mem>>)
      %dma_wait3A_118 = arith.constant 0 : i32
      %dma_wait3A_119 = tpu.memref_slice %arg11[%add3A_71, %dma_wait3A_118] : memref<10240x128xf32, #tpu.memory_space<vmem_shared>> -> memref<32x128xf32, #tpu.memory_space<vmem_shared>>
      %dma_wait3A_120 = arith.constant 0 : i32
      %dma_wait3A_121 = tpu.memref_slice %arg11[%add3A_71, %dma_wait3A_120] : memref<10240x128xf32, #tpu.memory_space<vmem_shared>> -> memref<32x128xf32, #tpu.memory_space<vmem_shared>>
      tpu.wait_dma2 semaphore(%run_scoped3A : memref<!tpu.dma_semaphore, #tpu.memory_space<semaphore_mem>>) src(%arg10 : memref<32x128xf32, #tpu.memory_space<vmem>>) dst(%dma_wait3A_121 : memref<32x128xf32, #tpu.memory_space<vmem_shared>>)
      tpu.yield
    }) : () -> ()
    %mul3A_72 = arith.constant 640 : i32
    %mul3A_73 = arith.muli %arg1, %mul3A_72 : i32
    %add3A_74 = arith.constant 480 : i32
    %add3A_75 = arith.addi %mul3A_73, %add3A_74 : i32
    "tpu.region"() ({
      %run_scoped3A = tpu.sem_alloc : memref<!tpu.dma_semaphore, #tpu.memory_space<semaphore_mem>>
      %dma_start3A_114 = arith.constant 0 : i32
      %dma_start3A_115 = tpu.memref_slice %arg11[%add3A_75, %dma_start3A_114] : memref<10240x128xf32, #tpu.memory_space<vmem_shared>> -> memref<32x128xf32, #tpu.memory_space<vmem_shared>>
      %dma_start3A_116 = arith.constant 0 : i32
      %dma_start3A_117 = tpu.memref_slice %arg11[%add3A_75, %dma_start3A_116] : memref<10240x128xf32, #tpu.memory_space<vmem_shared>> -> memref<32x128xf32, #tpu.memory_space<vmem_shared>>
      tpu.enqueue_dma source(%arg10 : memref<32x128xf32, #tpu.memory_space<vmem>>) target(%dma_start3A_117 : memref<32x128xf32, #tpu.memory_space<vmem_shared>>) target_semaphore(%run_scoped3A : memref<!tpu.dma_semaphore, #tpu.memory_space<semaphore_mem>>)
      %dma_wait3A_118 = arith.constant 0 : i32
      %dma_wait3A_119 = tpu.memref_slice %arg11[%add3A_75, %dma_wait3A_118] : memref<10240x128xf32, #tpu.memory_space<vmem_shared>> -> memref<32x128xf32, #tpu.memory_space<vmem_shared>>
      %dma_wait3A_120 = arith.constant 0 : i32
      %dma_wait3A_121 = tpu.memref_slice %arg11[%add3A_75, %dma_wait3A_120] : memref<10240x128xf32, #tpu.memory_space<vmem_shared>> -> memref<32x128xf32, #tpu.memory_space<vmem_shared>>
      tpu.wait_dma2 semaphore(%run_scoped3A : memref<!tpu.dma_semaphore, #tpu.memory_space<semaphore_mem>>) src(%arg10 : memref<32x128xf32, #tpu.memory_space<vmem>>) dst(%dma_wait3A_121 : memref<32x128xf32, #tpu.memory_space<vmem_shared>>)
      tpu.yield
    }) : () -> ()
    %mul3A_76 = arith.constant 640 : i32
    %mul3A_77 = arith.muli %arg1, %mul3A_76 : i32
    %add3A_78 = arith.constant 512 : i32
    %add3A_79 = arith.addi %mul3A_77, %add3A_78 : i32
    "tpu.region"() ({
      %run_scoped3A = tpu.sem_alloc : memref<!tpu.dma_semaphore, #tpu.memory_space<semaphore_mem>>
      %dma_start3A_114 = arith.constant 0 : i32
      %dma_start3A_115 = tpu.memref_slice %arg11[%add3A_79, %dma_start3A_114] : memref<10240x128xf32, #tpu.memory_space<vmem_shared>> -> memref<32x128xf32, #tpu.memory_space<vmem_shared>>
      %dma_start3A_116 = arith.constant 0 : i32
      %dma_start3A_117 = tpu.memref_slice %arg11[%add3A_79, %dma_start3A_116] : memref<10240x128xf32, #tpu.memory_space<vmem_shared>> -> memref<32x128xf32, #tpu.memory_space<vmem_shared>>
      tpu.enqueue_dma source(%arg10 : memref<32x128xf32, #tpu.memory_space<vmem>>) target(%dma_start3A_117 : memref<32x128xf32, #tpu.memory_space<vmem_shared>>) target_semaphore(%run_scoped3A : memref<!tpu.dma_semaphore, #tpu.memory_space<semaphore_mem>>)
      %dma_wait3A_118 = arith.constant 0 : i32
      %dma_wait3A_119 = tpu.memref_slice %arg11[%add3A_79, %dma_wait3A_118] : memref<10240x128xf32, #tpu.memory_space<vmem_shared>> -> memref<32x128xf32, #tpu.memory_space<vmem_shared>>
      %dma_wait3A_120 = arith.constant 0 : i32
      %dma_wait3A_121 = tpu.memref_slice %arg11[%add3A_79, %dma_wait3A_120] : memref<10240x128xf32, #tpu.memory_space<vmem_shared>> -> memref<32x128xf32, #tpu.memory_space<vmem_shared>>
      tpu.wait_dma2 semaphore(%run_scoped3A : memref<!tpu.dma_semaphore, #tpu.memory_space<semaphore_mem>>) src(%arg10 : memref<32x128xf32, #tpu.memory_space<vmem>>) dst(%dma_wait3A_121 : memref<32x128xf32, #tpu.memory_space<vmem_shared>>)
      tpu.yield
    }) : () -> ()
    %mul3A_80 = arith.constant 640 : i32
    %mul3A_81 = arith.muli %arg1, %mul3A_80 : i32
    %add3A_82 = arith.constant 544 : i32
    %add3A_83 = arith.addi %mul3A_81, %add3A_82 : i32
    "tpu.region"() ({
      %run_scoped3A = tpu.sem_alloc : memref<!tpu.dma_semaphore, #tpu.memory_space<semaphore_mem>>
      %dma_start3A_114 = arith.constant 0 : i32
      %dma_start3A_115 = tpu.memref_slice %arg11[%add3A_83, %dma_start3A_114] : memref<10240x128xf32, #tpu.memory_space<vmem_shared>> -> memref<32x128xf32, #tpu.memory_space<vmem_shared>>
      %dma_start3A_116 = arith.constant 0 : i32
      %dma_start3A_117 = tpu.memref_slice %arg11[%add3A_83, %dma_start3A_116] : memref<10240x128xf32, #tpu.memory_space<vmem_shared>> -> memref<32x128xf32, #tpu.memory_space<vmem_shared>>
      tpu.enqueue_dma source(%arg10 : memref<32x128xf32, #tpu.memory_space<vmem>>) target(%dma_start3A_117 : memref<32x128xf32, #tpu.memory_space<vmem_shared>>) target_semaphore(%run_scoped3A : memref<!tpu.dma_semaphore, #tpu.memory_space<semaphore_mem>>)
      %dma_wait3A_118 = arith.constant 0 : i32
      %dma_wait3A_119 = tpu.memref_slice %arg11[%add3A_83, %dma_wait3A_118] : memref<10240x128xf32, #tpu.memory_space<vmem_shared>> -> memref<32x128xf32, #tpu.memory_space<vmem_shared>>
      %dma_wait3A_120 = arith.constant 0 : i32
      %dma_wait3A_121 = tpu.memref_slice %arg11[%add3A_83, %dma_wait3A_120] : memref<10240x128xf32, #tpu.memory_space<vmem_shared>> -> memref<32x128xf32, #tpu.memory_space<vmem_shared>>
      tpu.wait_dma2 semaphore(%run_scoped3A : memref<!tpu.dma_semaphore, #tpu.memory_space<semaphore_mem>>) src(%arg10 : memref<32x128xf32, #tpu.memory_space<vmem>>) dst(%dma_wait3A_121 : memref<32x128xf32, #tpu.memory_space<vmem_shared>>)
      tpu.yield
    }) : () -> ()
    %mul3A_84 = arith.constant 640 : i32
    %mul3A_85 = arith.muli %arg1, %mul3A_84 : i32
    %add3A_86 = arith.constant 576 : i32
    %add3A_87 = arith.addi %mul3A_85, %add3A_86 : i32
    "tpu.region"() ({
      %run_scoped3A = tpu.sem_alloc : memref<!tpu.dma_semaphore, #tpu.memory_space<semaphore_mem>>
      %dma_start3A_114 = arith.constant 0 : i32
      %dma_start3A_115 = tpu.memref_slice %arg11[%add3A_87, %dma_start3A_114] : memref<10240x128xf32, #tpu.memory_space<vmem_shared>> -> memref<32x128xf32, #tpu.memory_space<vmem_shared>>
      %dma_start3A_116 = arith.constant 0 : i32
      %dma_start3A_117 = tpu.memref_slice %arg11[%add3A_87, %dma_start3A_116] : memref<10240x128xf32, #tpu.memory_space<vmem_shared>> -> memref<32x128xf32, #tpu.memory_space<vmem_shared>>
      tpu.enqueue_dma source(%arg10 : memref<32x128xf32, #tpu.memory_space<vmem>>) target(%dma_start3A_117 : memref<32x128xf32, #tpu.memory_space<vmem_shared>>) target_semaphore(%run_scoped3A : memref<!tpu.dma_semaphore, #tpu.memory_space<semaphore_mem>>)
      %dma_wait3A_118 = arith.constant 0 : i32
      %dma_wait3A_119 = tpu.memref_slice %arg11[%add3A_87, %dma_wait3A_118] : memref<10240x128xf32, #tpu.memory_space<vmem_shared>> -> memref<32x128xf32, #tpu.memory_space<vmem_shared>>
      %dma_wait3A_120 = arith.constant 0 : i32
      %dma_wait3A_121 = tpu.memref_slice %arg11[%add3A_87, %dma_wait3A_120] : memref<10240x128xf32, #tpu.memory_space<vmem_shared>> -> memref<32x128xf32, #tpu.memory_space<vmem_shared>>
      tpu.wait_dma2 semaphore(%run_scoped3A : memref<!tpu.dma_semaphore, #tpu.memory_space<semaphore_mem>>) src(%arg10 : memref<32x128xf32, #tpu.memory_space<vmem>>) dst(%dma_wait3A_121 : memref<32x128xf32, #tpu.memory_space<vmem_shared>>)
      tpu.yield
    }) : () -> ()
    %mul3A_88 = arith.constant 640 : i32
    %mul3A_89 = arith.muli %arg1, %mul3A_88 : i32
    %add3A_90 = arith.constant 608 : i32
    %add3A_91 = arith.addi %mul3A_89, %add3A_90 : i32
    "tpu.region"() ({
      %run_scoped3A = tpu.sem_alloc : memref<!tpu.dma_semaphore, #tpu.memory_space<semaphore_mem>>
      %dma_start3A_114 = arith.constant 0 : i32
      %dma_start3A_115 = tpu.memref_slice %arg11[%add3A_91, %dma_start3A_114] : memref<10240x128xf32, #tpu.memory_space<vmem_shared>> -> memref<32x128xf32, #tpu.memory_space<vmem_shared>>
      %dma_start3A_116 = arith.constant 0 : i32
      %dma_start3A_117 = tpu.memref_slice %arg11[%add3A_91, %dma_start3A_116] : memref<10240x128xf32, #tpu.memory_space<vmem_shared>> -> memref<32x128xf32, #tpu.memory_space<vmem_shared>>
      tpu.enqueue_dma source(%arg10 : memref<32x128xf32, #tpu.memory_space<vmem>>) target(%dma_start3A_117 : memref<32x128xf32, #tpu.memory_space<vmem_shared>>) target_semaphore(%run_scoped3A : memref<!tpu.dma_semaphore, #tpu.memory_space<semaphore_mem>>)
      %dma_wait3A_118 = arith.constant 0 : i32
      %dma_wait3A_119 = tpu.memref_slice %arg11[%add3A_91, %dma_wait3A_118] : memref<10240x128xf32, #tpu.memory_space<vmem_shared>> -> memref<32x128xf32, #tpu.memory_space<vmem_shared>>
      %dma_wait3A_120 = arith.constant 0 : i32
      %dma_wait3A_121 = tpu.memref_slice %arg11[%add3A_91, %dma_wait3A_120] : memref<10240x128xf32, #tpu.memory_space<vmem_shared>> -> memref<32x128xf32, #tpu.memory_space<vmem_shared>>
      tpu.wait_dma2 semaphore(%run_scoped3A : memref<!tpu.dma_semaphore, #tpu.memory_space<semaphore_mem>>) src(%arg10 : memref<32x128xf32, #tpu.memory_space<vmem>>) dst(%dma_wait3A_121 : memref<32x128xf32, #tpu.memory_space<vmem_shared>>)
      tpu.yield
    }) : () -> ()
    %dma_wait3A = tpu.memref_slice %arg2[%multiple_of3A] : memref<320000xi32, #tpu.memory_space<hbm>> -> memref<10000xi32, #tpu.memory_space<hbm>>
    %dma_wait3A_92 = tpu.memref_slice %arg2[%multiple_of3A] : memref<320000xi32, #tpu.memory_space<hbm>> -> memref<10000xi32, #tpu.memory_space<hbm>>
    tpu.wait_dma2 semaphore(%arg14 : memref<!tpu.dma_semaphore, #tpu.memory_space<semaphore_mem>>) src(%dma_wait3A_92 : memref<10000xi32, #tpu.memory_space<hbm>>) dst(%arg6 : memref<10000xi32, #tpu.memory_space<vmem>>)
    %dma_wait3A_93 = tpu.memref_slice %arg3[%multiple_of3A] : memref<320000xi32, #tpu.memory_space<hbm>> -> memref<10000xi32, #tpu.memory_space<hbm>>
    %dma_wait3A_94 = tpu.memref_slice %arg3[%multiple_of3A] : memref<320000xi32, #tpu.memory_space<hbm>> -> memref<10000xi32, #tpu.memory_space<hbm>>
    tpu.wait_dma2 semaphore(%arg14 : memref<!tpu.dma_semaphore, #tpu.memory_space<semaphore_mem>>) src(%dma_wait3A_94 : memref<10000xi32, #tpu.memory_space<hbm>>) dst(%arg7 : memref<10000xi32, #tpu.memory_space<vmem>>)
    %barrier3A = arith.constant 0 : index
    tpu.barrier barrier_id(%barrier3A)
    %multiple_of3A_95 = arith.constant 0 : i32
    %multiple_of3A_96 = tpu.assume_multiple %multiple_of3A_95, 8 : i32
    %dma_start3A_97 = tpu.memref_slice %arg6[%multiple_of3A_96] : memref<10000xi32, #tpu.memory_space<vmem>> -> memref<80xi32, #tpu.memory_space<vmem>>
    %dma_start3A_98 = arith.constant 0 : i32
    %dma_start3A_99 = arith.constant 0 : i32
    %dma_start3A_100 = tpu.memref_slice %arg4[%dma_start3A_98, %dma_start3A_99] : memref<10000x128xf32, #tpu.memory_space<hbm>> -> memref<10000x128xf32, #tpu.memory_space<hbm>>
    tpu.enqueue_indirect_dma source(%dma_start3A_100 : memref<10000x128xf32, #tpu.memory_space<hbm>>) target(%arg8 : memref<80x128xf32, #tpu.memory_space<vmem>>) offsets(%dma_start3A_97 : memref<80xi32, #tpu.memory_space<vmem>>) semaphore(%arg12 : memref<!tpu.dma_semaphore, #tpu.memory_space<semaphore_mem>>)
    %scan3A_101 = arith.constant 0 : i32
    %scan3A_102 = arith.constant 0 : i32
    %scan3A_103 = arith.constant 63 : i32
    %scan3A_104 = arith.addi %scan3A_102, %scan3A_103 : i32
    %scan3A_105 = arith.constant 1 : i32
    scf.for %scan3A_114 = %scan3A_102 to %scan3A_104 step %scan3A_105  : i32 {
      %mul3A_115 = arith.constant 2 : i32
      %mul3A_116 = arith.muli %scan3A_114, %mul3A_115 : i32
      %add3A_117 = arith.constant 1 : i32
      %add3A_118 = arith.addi %mul3A_116, %add3A_117 : i32
      %lt3A_119 = arith.constant 125 : i32
      %lt3A_120 = arith.cmpi slt, %add3A_118, %lt3A_119 : i32
      %convert_element_type3A_121 = arith.extui %lt3A_120 : i1 to i32
      %cond3A_122 = arith.constant 0 : i32
      %cond3A_123 = arith.cmpi ne, %convert_element_type3A_121, %cond3A_122 : i32
      scf.if %cond3A_123 {
        %mul3A_137 = arith.constant 80 : i32
        %mul3A_138 = arith.muli %add3A_118, %mul3A_137 : i32
        %multiple_of3A_139 = tpu.assume_multiple %mul3A_138, 8 : i32
        %dma_start3A_140 = tpu.memref_slice %arg6[%multiple_of3A_139] : memref<10000xi32, #tpu.memory_space<vmem>> -> memref<80xi32, #tpu.memory_space<vmem>>
        %dma_start3A_141 = arith.constant 0 : i32
        %dma_start3A_142 = arith.constant 0 : i32
        %dma_start3A_143 = tpu.memref_slice %arg4[%dma_start3A_141, %dma_start3A_142] : memref<10000x128xf32, #tpu.memory_space<hbm>> -> memref<10000x128xf32, #tpu.memory_space<hbm>>
        tpu.enqueue_indirect_dma source(%dma_start3A_143 : memref<10000x128xf32, #tpu.memory_space<hbm>>) target(%arg9 : memref<80x128xf32, #tpu.memory_space<vmem>>) offsets(%dma_start3A_140 : memref<80xi32, #tpu.memory_space<vmem>>) semaphore(%arg13 : memref<!tpu.dma_semaphore, #tpu.memory_space<semaphore_mem>>)
      } else {
      }
      %dma_wait3A_124 = arith.constant 0 : i32
      %dma_wait3A_125 = tpu.memref_slice %arg6[%dma_wait3A_124] : memref<10000xi32, #tpu.memory_space<vmem>> -> memref<80xi32, #tpu.memory_space<vmem>>
      %dma_wait3A_126 = arith.constant 0 : i32
      %dma_wait3A_127 = arith.constant 0 : i32
      %dma_wait3A_128 = tpu.memref_slice %arg4[%dma_wait3A_126, %dma_wait3A_127] : memref<10000x128xf32, #tpu.memory_space<hbm>> -> memref<10000x128xf32, #tpu.memory_space<hbm>>
      tpu.wait_indirect_dma semaphore(%arg12 : memref<!tpu.dma_semaphore, #tpu.memory_space<semaphore_mem>>) src(%dma_wait3A_128 : memref<10000x128xf32, #tpu.memory_space<hbm>>) dst(%arg8 : memref<80x128xf32, #tpu.memory_space<vmem>>)
      %mul3A_129 = arith.constant 80 : i32
      %mul3A_130 = arith.muli %mul3A_116, %mul3A_129 : i32
      %multiple_of3A_131 = tpu.assume_multiple %mul3A_130, 8 : i32
      "tpu.region"() ({
        %run_scoped3A = tpu.sem_alloc : memref<!tpu.dma_semaphore, #tpu.memory_space<semaphore_mem>>
        %dma_start3A_137 = tpu.memref_slice %arg7[%multiple_of3A_131] : memref<10000xi32, #tpu.memory_space<vmem>> -> memref<80xi32, #tpu.memory_space<vmem>>
        %dma_start3A_138 = arith.constant 0 : i32
        %dma_start3A_139 = arith.constant 0 : i32
        %dma_start3A_140 = tpu.memref_slice %arg11[%dma_start3A_138, %dma_start3A_139] : memref<10240x128xf32, #tpu.memory_space<vmem_shared>> -> memref<10240x128xf32, #tpu.memory_space<vmem_shared>>
        tpu.enqueue_indirect_dma source(%arg8 : memref<80x128xf32, #tpu.memory_space<vmem>>) target(%dma_start3A_140 : memref<10240x128xf32, #tpu.memory_space<vmem_shared>>) offsets(%dma_start3A_137 : memref<80xi32, #tpu.memory_space<vmem>>) semaphore(%run_scoped3A : memref<!tpu.dma_semaphore, #tpu.memory_space<semaphore_mem>>) {add = true}
        %dma_wait3A_141 = tpu.memref_slice %arg7[%multiple_of3A_131] : memref<10000xi32, #tpu.memory_space<vmem>> -> memref<80xi32, #tpu.memory_space<vmem>>
        %dma_wait3A_142 = arith.constant 0 : i32
        %dma_wait3A_143 = arith.constant 0 : i32
        %dma_wait3A_144 = tpu.memref_slice %arg11[%dma_wait3A_142, %dma_wait3A_143] : memref<10240x128xf32, #tpu.memory_space<vmem_shared>> -> memref<10240x128xf32, #tpu.memory_space<vmem_shared>>
        tpu.wait_indirect_dma semaphore(%run_scoped3A : memref<!tpu.dma_semaphore, #tpu.memory_space<semaphore_mem>>) src(%arg8 : memref<80x128xf32, #tpu.memory_space<vmem>>) dst(%dma_wait3A_144 : memref<10240x128xf32, #tpu.memory_space<vmem_shared>>)
        tpu.yield
      }) : () -> ()
      %lt3A_132 = arith.constant 125 : i32
      %lt3A_133 = arith.cmpi slt, %add3A_118, %lt3A_132 : i32
      %convert_element_type3A_134 = arith.extui %lt3A_133 : i1 to i32
      %cond3A_135 = arith.constant 0 : i32
      %cond3A_136 = arith.cmpi ne, %convert_element_type3A_134, %cond3A_135 : i32
      scf.if %cond3A_136 {
        %add3A_137 = arith.constant 1 : i32
        %add3A_138 = arith.addi %add3A_118, %add3A_137 : i32
        %lt3A_139 = arith.constant 125 : i32
        %lt3A_140 = arith.cmpi slt, %add3A_138, %lt3A_139 : i32
        %convert_element_type3A_141 = arith.extui %lt3A_140 : i1 to i32
        %cond3A_142 = arith.constant 0 : i32
        %cond3A_143 = arith.cmpi ne, %convert_element_type3A_141, %cond3A_142 : i32
        scf.if %cond3A_143 {
          %add3A_152 = arith.constant 1 : i32
          %add3A_153 = arith.addi %add3A_118, %add3A_152 : i32
          %mul3A_154 = arith.constant 80 : i32
          %mul3A_155 = arith.muli %add3A_153, %mul3A_154 : i32
          %multiple_of3A_156 = tpu.assume_multiple %mul3A_155, 8 : i32
          %dma_start3A_157 = tpu.memref_slice %arg6[%multiple_of3A_156] : memref<10000xi32, #tpu.memory_space<vmem>> -> memref<80xi32, #tpu.memory_space<vmem>>
          %dma_start3A_158 = arith.constant 0 : i32
          %dma_start3A_159 = arith.constant 0 : i32
          %dma_start3A_160 = tpu.memref_slice %arg4[%dma_start3A_158, %dma_start3A_159] : memref<10000x128xf32, #tpu.memory_space<hbm>> -> memref<10000x128xf32, #tpu.memory_space<hbm>>
          tpu.enqueue_indirect_dma source(%dma_start3A_160 : memref<10000x128xf32, #tpu.memory_space<hbm>>) target(%arg8 : memref<80x128xf32, #tpu.memory_space<vmem>>) offsets(%dma_start3A_157 : memref<80xi32, #tpu.memory_space<vmem>>) semaphore(%arg12 : memref<!tpu.dma_semaphore, #tpu.memory_space<semaphore_mem>>)
        } else {
        }
        %dma_wait3A_144 = arith.constant 0 : i32
        %dma_wait3A_145 = tpu.memref_slice %arg6[%dma_wait3A_144] : memref<10000xi32, #tpu.memory_space<vmem>> -> memref<80xi32, #tpu.memory_space<vmem>>
        %dma_wait3A_146 = arith.constant 0 : i32
        %dma_wait3A_147 = arith.constant 0 : i32
        %dma_wait3A_148 = tpu.memref_slice %arg4[%dma_wait3A_146, %dma_wait3A_147] : memref<10000x128xf32, #tpu.memory_space<hbm>> -> memref<10000x128xf32, #tpu.memory_space<hbm>>
        tpu.wait_indirect_dma semaphore(%arg13 : memref<!tpu.dma_semaphore, #tpu.memory_space<semaphore_mem>>) src(%dma_wait3A_148 : memref<10000x128xf32, #tpu.memory_space<hbm>>) dst(%arg9 : memref<80x128xf32, #tpu.memory_space<vmem>>)
        %mul3A_149 = arith.constant 80 : i32
        %mul3A_150 = arith.muli %add3A_118, %mul3A_149 : i32
        %multiple_of3A_151 = tpu.assume_multiple %mul3A_150, 8 : i32
        "tpu.region"() ({
          %run_scoped3A = tpu.sem_alloc : memref<!tpu.dma_semaphore, #tpu.memory_space<semaphore_mem>>
          %dma_start3A_152 = tpu.memref_slice %arg7[%multiple_of3A_151] : memref<10000xi32, #tpu.memory_space<vmem>> -> memref<80xi32, #tpu.memory_space<vmem>>
          %dma_start3A_153 = arith.constant 0 : i32
          %dma_start3A_154 = arith.constant 0 : i32
          %dma_start3A_155 = tpu.memref_slice %arg11[%dma_start3A_153, %dma_start3A_154] : memref<10240x128xf32, #tpu.memory_space<vmem_shared>> -> memref<10240x128xf32, #tpu.memory_space<vmem_shared>>
          tpu.enqueue_indirect_dma source(%arg9 : memref<80x128xf32, #tpu.memory_space<vmem>>) target(%dma_start3A_155 : memref<10240x128xf32, #tpu.memory_space<vmem_shared>>) offsets(%dma_start3A_152 : memref<80xi32, #tpu.memory_space<vmem>>) semaphore(%run_scoped3A : memref<!tpu.dma_semaphore, #tpu.memory_space<semaphore_mem>>) {add = true}
          %dma_wait3A_156 = tpu.memref_slice %arg7[%multiple_of3A_151] : memref<10000xi32, #tpu.memory_space<vmem>> -> memref<80xi32, #tpu.memory_space<vmem>>
          %dma_wait3A_157 = arith.constant 0 : i32
          %dma_wait3A_158 = arith.constant 0 : i32
          %dma_wait3A_159 = tpu.memref_slice %arg11[%dma_wait3A_157, %dma_wait3A_158] : memref<10240x128xf32, #tpu.memory_space<vmem_shared>> -> memref<10240x128xf32, #tpu.memory_space<vmem_shared>>
          tpu.wait_indirect_dma semaphore(%run_scoped3A : memref<!tpu.dma_semaphore, #tpu.memory_space<semaphore_mem>>) src(%arg9 : memref<80x128xf32, #tpu.memory_space<vmem>>) dst(%dma_wait3A_159 : memref<10240x128xf32, #tpu.memory_space<vmem_shared>>)
          tpu.yield
        }) : () -> ()
      } else {
      }
    }
    %scan3A_106 = arith.constant 63 : i32
    %barrier3A_107 = arith.constant 0 : index
    tpu.barrier barrier_id(%barrier3A_107)
    %lt3A = arith.constant 15 : i32
    %lt3A_108 = arith.cmpi slt, %arg1, %lt3A : i32
    %convert_element_type3A = arith.extui %lt3A_108 : i1 to i32
    %cond3A = arith.constant 0 : i32
    %cond3A_109 = arith.cmpi ne, %convert_element_type3A, %cond3A : i32
    scf.if %cond3A_109 {
      %mul3A_114 = arith.constant 624 : i32
      %mul3A_115 = arith.muli %arg1, %mul3A_114 : i32
      %mul3A_116 = arith.constant 10000 : i32
      %mul3A_117 = arith.muli %arg0, %mul3A_116 : i32
      %mul3A_118 = arith.constant 624 : i32
      %mul3A_119 = arith.muli %arg1, %mul3A_118 : i32
      %add3A_120 = arith.addi %mul3A_117, %mul3A_119 : i32
      "tpu.region"() ({
        %run_scoped3A = tpu.sem_alloc : memref<!tpu.dma_semaphore, #tpu.memory_space<semaphore_mem>>
        %dma_start3A_121 = arith.constant 0 : i32
        %dma_start3A_122 = tpu.memref_slice %arg5[%add3A_120, %dma_start3A_121] : memref<20000x128xf32, #tpu.memory_space<hbm>> -> memref<624x128xf32, #tpu.memory_space<hbm>>
        %dma_start3A_123 = arith.constant 0 : i32
        %dma_start3A_124 = tpu.memref_slice %arg11[%mul3A_115, %dma_start3A_123] : memref<10240x128xf32, #tpu.memory_space<vmem_shared>> -> memref<624x128xf32, #tpu.memory_space<vmem_shared>>
        tpu.enqueue_dma source(%dma_start3A_124 : memref<624x128xf32, #tpu.memory_space<vmem_shared>>) target(%dma_start3A_122 : memref<624x128xf32, #tpu.memory_space<hbm>>) target_semaphore(%run_scoped3A : memref<!tpu.dma_semaphore, #tpu.memory_space<semaphore_mem>>)
        %dma_wait3A_125 = arith.constant 0 : i32
        %dma_wait3A_126 = tpu.memref_slice %arg5[%add3A_120, %dma_wait3A_125] : memref<20000x128xf32, #tpu.memory_space<hbm>> -> memref<624x128xf32, #tpu.memory_space<hbm>>
        %dma_wait3A_127 = arith.constant 0 : i32
        %dma_wait3A_128 = tpu.memref_slice %arg11[%mul3A_115, %dma_wait3A_127] : memref<10240x128xf32, #tpu.memory_space<vmem_shared>> -> memref<624x128xf32, #tpu.memory_space<vmem_shared>>
        tpu.wait_dma2 semaphore(%run_scoped3A : memref<!tpu.dma_semaphore, #tpu.memory_space<semaphore_mem>>) src(%dma_wait3A_128 : memref<624x128xf32, #tpu.memory_space<vmem_shared>>) dst(%dma_wait3A_126 : memref<624x128xf32, #tpu.memory_space<hbm>>)
        tpu.yield
      }) : () -> ()
    } else {
    }
    %eq3A = arith.constant 15 : i32
    %eq3A_110 = arith.cmpi eq, %arg1, %eq3A : i32
    %convert_element_type3A_111 = arith.extui %eq3A_110 : i1 to i32
    %cond3A_112 = arith.constant 0 : i32
    %cond3A_113 = arith.cmpi ne, %convert_element_type3A_111, %cond3A_112 : i32
    scf.if %cond3A_113 {
      %mul3A_114 = arith.constant 10000 : i32
      %mul3A_115 = arith.muli %arg0, %mul3A_114 : i32
      %add3A_116 = arith.constant 9360 : i32
      %add3A_117 = arith.addi %mul3A_115, %add3A_116 : i32
      "tpu.region"() ({
        %run_scoped3A = tpu.sem_alloc : memref<!tpu.dma_semaphore, #tpu.memory_space<semaphore_mem>>
        %dma_start3A_118 = arith.constant 0 : i32
        %dma_start3A_119 = tpu.memref_slice %arg5[%add3A_117, %dma_start3A_118] : memref<20000x128xf32, #tpu.memory_space<hbm>> -> memref<640x128xf32, #tpu.memory_space<hbm>>
        %dma_start3A_120 = arith.constant 9360 : i32
        %dma_start3A_121 = arith.constant 0 : i32
        %dma_start3A_122 = tpu.memref_slice %arg11[%dma_start3A_120, %dma_start3A_121] : memref<10240x128xf32, #tpu.memory_space<vmem_shared>> -> memref<640x128xf32, #tpu.memory_space<vmem_shared>>
        tpu.enqueue_dma source(%dma_start3A_122 : memref<640x128xf32, #tpu.memory_space<vmem_shared>>) target(%dma_start3A_119 : memref<640x128xf32, #tpu.memory_space<hbm>>) target_semaphore(%run_scoped3A : memref<!tpu.dma_semaphore, #tpu.memory_space<semaphore_mem>>)
        %dma_wait3A_123 = arith.constant 0 : i32
        %dma_wait3A_124 = tpu.memref_slice %arg5[%add3A_117, %dma_wait3A_123] : memref<20000x128xf32, #tpu.memory_space<hbm>> -> memref<640x128xf32, #tpu.memory_space<hbm>>
        %dma_wait3A_125 = arith.constant 9360 : i32
        %dma_wait3A_126 = arith.constant 0 : i32
        %dma_wait3A_127 = tpu.memref_slice %arg11[%dma_wait3A_125, %dma_wait3A_126] : memref<10240x128xf32, #tpu.memory_space<vmem_shared>> -> memref<640x128xf32, #tpu.memory_space<vmem_shared>>
        tpu.wait_dma2 semaphore(%run_scoped3A : memref<!tpu.dma_semaphore, #tpu.memory_space<semaphore_mem>>) src(%dma_wait3A_127 : memref<640x128xf32, #tpu.memory_space<vmem_shared>>) dst(%dma_wait3A_124 : memref<640x128xf32, #tpu.memory_space<hbm>>)
        tpu.yield
      }) : () -> ()
    } else {
    }
    return
  }
}

#map = affine_map<(d0, d1) -> (0)>
module attributes {stable_mosaic.version = 14 : i64} {
  func.func @_sc_degree(%arg0: i32, %arg1: i32, %arg2: memref<320000xi32, #tpu.memory_space<hbm>>, %arg3: memref<20480xf32, #tpu.memory_space<hbm>>, %arg4: memref<10000xi32, #tpu.memory_space<vmem>>, %arg5: memref<128xf32, #tpu.memory_space<vmem>>, %arg6: memref<640xf32, #tpu.memory_space<vmem>>, %arg7: memref<10240xf32, #tpu.memory_space<vmem_shared>>, %arg8: memref<!tpu.dma_semaphore, #tpu.memory_space<semaphore_mem>>) attributes {dimension_semantics = [#tpu.dimension_semantics<core_parallel>, #tpu.dimension_semantics<subcore_parallel>], iteration_bounds = array<i64: 2, 16>, scalar_prefetch = 0 : i64, scratch_operands = 5 : i64, tpu.core_type = #tpu.core_type<sc_vector_subcore>, window_params = [{transform_indices = #map}, {transform_indices = #map}]} {
    %mul3A = arith.constant 2 : i32
    %mul3A_0 = arith.muli %arg1, %mul3A : i32
    %add3A = arith.addi %mul3A_0, %arg0 : i32
    %mul3A_1 = arith.constant 10000 : i32
    %mul3A_2 = arith.muli %add3A, %mul3A_1 : i32
    %multiple_of3A = tpu.assume_multiple %mul3A_2, 8 : i32
    %dma_start3A = tpu.memref_slice %arg2[%multiple_of3A] : memref<320000xi32, #tpu.memory_space<hbm>> -> memref<10000xi32, #tpu.memory_space<hbm>>
    %dma_start3A_3 = tpu.memref_slice %arg2[%multiple_of3A] : memref<320000xi32, #tpu.memory_space<hbm>> -> memref<10000xi32, #tpu.memory_space<hbm>>
    tpu.enqueue_dma source(%dma_start3A_3 : memref<10000xi32, #tpu.memory_space<hbm>>) target(%arg4 : memref<10000xi32, #tpu.memory_space<vmem>>) target_semaphore(%arg8 : memref<!tpu.dma_semaphore, #tpu.memory_space<semaphore_mem>>)
    %broadcast_in_dim3A = arith.constant 0.000000e+00 : f32
    %broadcast_in_dim3A_4 = vector.broadcast %broadcast_in_dim3A : f32 to vector<16xf32>
    %broadcast_in_dim3A_5 = arith.constant 1.000000e+00 : f32
    %broadcast_in_dim3A_6 = vector.broadcast %broadcast_in_dim3A_5 : f32 to vector<16xf32>
    %scan3A = arith.constant 0 : i32
    %scan3A_7 = arith.constant 0 : i32
    %scan3A_8 = arith.constant 40 : i32
    %scan3A_9 = arith.addi %scan3A_7, %scan3A_8 : i32
    %scan3A_10 = arith.constant 1 : i32
    scf.for %scan3A_61 = %scan3A_7 to %scan3A_9 step %scan3A_10  : i32 {
      %mul3A_62 = arith.constant 16 : i32
      %mul3A_63 = arith.muli %scan3A_61, %mul3A_62 : i32
      %swap3A_64 = arith.index_cast %mul3A_63 : i32 to index
      %swap3A_65 = tpu.vector_load %arg6[%swap3A_64] {strides = array<i32>} : memref<640xf32, #tpu.memory_space<vmem>>, vector<16xf32>,
      %swap3A_66 = vector.shape_cast %swap3A_65 : vector<16xf32> to vector<16xf32>
      %swap3A_67 = vector.shape_cast %broadcast_in_dim3A_4 : vector<16xf32> to vector<16xf32>
      tpu.vector_store %arg6[%swap3A_64], %swap3A_67 {strides = array<i32>} : memref<640xf32, #tpu.memory_space<vmem>>, vector<16xf32>,
    }
    %scan3A_11 = arith.constant 40 : i32
    %swap3A = arith.constant 0 : index
    %swap3A_12 = tpu.vector_load %arg5[%swap3A] {strides = array<i32>} : memref<128xf32, #tpu.memory_space<vmem>>, vector<16xf32>,
    %swap3A_13 = vector.shape_cast %swap3A_12 : vector<16xf32> to vector<16xf32>
    %swap3A_14 = vector.shape_cast %broadcast_in_dim3A_6 : vector<16xf32> to vector<16xf32>
    tpu.vector_store %arg5[%swap3A], %swap3A_14 {strides = array<i32>} : memref<128xf32, #tpu.memory_space<vmem>>, vector<16xf32>,
    %swap3A_15 = arith.constant 16 : index
    %swap3A_16 = tpu.vector_load %arg5[%swap3A_15] {strides = array<i32>} : memref<128xf32, #tpu.memory_space<vmem>>, vector<16xf32>,
    %swap3A_17 = vector.shape_cast %swap3A_16 : vector<16xf32> to vector<16xf32>
    %swap3A_18 = vector.shape_cast %broadcast_in_dim3A_6 : vector<16xf32> to vector<16xf32>
    tpu.vector_store %arg5[%swap3A_15], %swap3A_18 {strides = array<i32>} : memref<128xf32, #tpu.memory_space<vmem>>, vector<16xf32>,
    %swap3A_19 = arith.constant 32 : index
    %swap3A_20 = tpu.vector_load %arg5[%swap3A_19] {strides = array<i32>} : memref<128xf32, #tpu.memory_space<vmem>>, vector<16xf32>,
    %swap3A_21 = vector.shape_cast %swap3A_20 : vector<16xf32> to vector<16xf32>
    %swap3A_22 = vector.shape_cast %broadcast_in_dim3A_6 : vector<16xf32> to vector<16xf32>
    tpu.vector_store %arg5[%swap3A_19], %swap3A_22 {strides = array<i32>} : memref<128xf32, #tpu.memory_space<vmem>>, vector<16xf32>,
    %swap3A_23 = arith.constant 48 : index
    %swap3A_24 = tpu.vector_load %arg5[%swap3A_23] {strides = array<i32>} : memref<128xf32, #tpu.memory_space<vmem>>, vector<16xf32>,
    %swap3A_25 = vector.shape_cast %swap3A_24 : vector<16xf32> to vector<16xf32>
    %swap3A_26 = vector.shape_cast %broadcast_in_dim3A_6 : vector<16xf32> to vector<16xf32>
    tpu.vector_store %arg5[%swap3A_23], %swap3A_26 {strides = array<i32>} : memref<128xf32, #tpu.memory_space<vmem>>, vector<16xf32>,
    %swap3A_27 = arith.constant 64 : index
    %swap3A_28 = tpu.vector_load %arg5[%swap3A_27] {strides = array<i32>} : memref<128xf32, #tpu.memory_space<vmem>>, vector<16xf32>,
    %swap3A_29 = vector.shape_cast %swap3A_28 : vector<16xf32> to vector<16xf32>
    %swap3A_30 = vector.shape_cast %broadcast_in_dim3A_6 : vector<16xf32> to vector<16xf32>
    tpu.vector_store %arg5[%swap3A_27], %swap3A_30 {strides = array<i32>} : memref<128xf32, #tpu.memory_space<vmem>>, vector<16xf32>,
    %swap3A_31 = arith.constant 80 : index
    %swap3A_32 = tpu.vector_load %arg5[%swap3A_31] {strides = array<i32>} : memref<128xf32, #tpu.memory_space<vmem>>, vector<16xf32>,
    %swap3A_33 = vector.shape_cast %swap3A_32 : vector<16xf32> to vector<16xf32>
    %swap3A_34 = vector.shape_cast %broadcast_in_dim3A_6 : vector<16xf32> to vector<16xf32>
    tpu.vector_store %arg5[%swap3A_31], %swap3A_34 {strides = array<i32>} : memref<128xf32, #tpu.memory_space<vmem>>, vector<16xf32>,
    %swap3A_35 = arith.constant 96 : index
    %swap3A_36 = tpu.vector_load %arg5[%swap3A_35] {strides = array<i32>} : memref<128xf32, #tpu.memory_space<vmem>>, vector<16xf32>,
    %swap3A_37 = vector.shape_cast %swap3A_36 : vector<16xf32> to vector<16xf32>
    %swap3A_38 = vector.shape_cast %broadcast_in_dim3A_6 : vector<16xf32> to vector<16xf32>
    tpu.vector_store %arg5[%swap3A_35], %swap3A_38 {strides = array<i32>} : memref<128xf32, #tpu.memory_space<vmem>>, vector<16xf32>,
    %swap3A_39 = arith.constant 112 : index
    %swap3A_40 = tpu.vector_load %arg5[%swap3A_39] {strides = array<i32>} : memref<128xf32, #tpu.memory_space<vmem>>, vector<16xf32>,
    %swap3A_41 = vector.shape_cast %swap3A_40 : vector<16xf32> to vector<16xf32>
    %swap3A_42 = vector.shape_cast %broadcast_in_dim3A_6 : vector<16xf32> to vector<16xf32>
    tpu.vector_store %arg5[%swap3A_39], %swap3A_42 {strides = array<i32>} : memref<128xf32, #tpu.memory_space<vmem>>, vector<16xf32>,
    %mul3A_43 = arith.constant 640 : i32
    %mul3A_44 = arith.muli %arg1, %mul3A_43 : i32
    "tpu.region"() ({
      %run_scoped3A = tpu.sem_alloc : memref<!tpu.dma_semaphore, #tpu.memory_space<semaphore_mem>>
      %dma_start3A_61 = tpu.memref_slice %arg7[%mul3A_44] : memref<10240xf32, #tpu.memory_space<vmem_shared>> -> memref<640xf32, #tpu.memory_space<vmem_shared>>
      %dma_start3A_62 = tpu.memref_slice %arg7[%mul3A_44] : memref<10240xf32, #tpu.memory_space<vmem_shared>> -> memref<640xf32, #tpu.memory_space<vmem_shared>>
      tpu.enqueue_dma source(%arg6 : memref<640xf32, #tpu.memory_space<vmem>>) target(%dma_start3A_62 : memref<640xf32, #tpu.memory_space<vmem_shared>>) target_semaphore(%run_scoped3A : memref<!tpu.dma_semaphore, #tpu.memory_space<semaphore_mem>>)
      %dma_wait3A_63 = tpu.memref_slice %arg7[%mul3A_44] : memref<10240xf32, #tpu.memory_space<vmem_shared>> -> memref<640xf32, #tpu.memory_space<vmem_shared>>
      %dma_wait3A_64 = tpu.memref_slice %arg7[%mul3A_44] : memref<10240xf32, #tpu.memory_space<vmem_shared>> -> memref<640xf32, #tpu.memory_space<vmem_shared>>
      tpu.wait_dma2 semaphore(%run_scoped3A : memref<!tpu.dma_semaphore, #tpu.memory_space<semaphore_mem>>) src(%arg6 : memref<640xf32, #tpu.memory_space<vmem>>) dst(%dma_wait3A_64 : memref<640xf32, #tpu.memory_space<vmem_shared>>)
      tpu.yield
    }) : () -> ()
    %dma_wait3A = tpu.memref_slice %arg2[%multiple_of3A] : memref<320000xi32, #tpu.memory_space<hbm>> -> memref<10000xi32, #tpu.memory_space<hbm>>
    %dma_wait3A_45 = tpu.memref_slice %arg2[%multiple_of3A] : memref<320000xi32, #tpu.memory_space<hbm>> -> memref<10000xi32, #tpu.memory_space<hbm>>
    tpu.wait_dma2 semaphore(%arg8 : memref<!tpu.dma_semaphore, #tpu.memory_space<semaphore_mem>>) src(%dma_wait3A_45 : memref<10000xi32, #tpu.memory_space<hbm>>) dst(%arg4 : memref<10000xi32, #tpu.memory_space<vmem>>)
    %barrier3A = arith.constant 0 : index
    tpu.barrier barrier_id(%barrier3A)
    %scan3A_46 = arith.constant 0 : i32
    %scan3A_47 = arith.constant 0 : i32
    %scan3A_48 = arith.constant 78 : i32
    %scan3A_49 = arith.addi %scan3A_47, %scan3A_48 : i32
    %scan3A_50 = arith.constant 1 : i32
    scf.for %scan3A_61 = %scan3A_47 to %scan3A_49 step %scan3A_50  : i32 {
      %mul3A_62 = arith.constant 128 : i32
      %mul3A_63 = arith.muli %scan3A_61, %mul3A_62 : i32
      %multiple_of3A_64 = tpu.assume_multiple %mul3A_63, 8 : i32
      "tpu.region"() ({
        %run_scoped3A = tpu.sem_alloc : memref<!tpu.dma_semaphore, #tpu.memory_space<semaphore_mem>>
        %dma_start3A_65 = tpu.memref_slice %arg4[%multiple_of3A_64] : memref<10000xi32, #tpu.memory_space<vmem>> -> memref<128xi32, #tpu.memory_space<vmem>>
        %dma_start3A_66 = arith.constant 0 : i32
        %dma_start3A_67 = tpu.memref_slice %arg7[%dma_start3A_66] : memref<10240xf32, #tpu.memory_space<vmem_shared>> -> memref<10240xf32, #tpu.memory_space<vmem_shared>>
        tpu.enqueue_indirect_dma source(%arg5 : memref<128xf32, #tpu.memory_space<vmem>>) target(%dma_start3A_67 : memref<10240xf32, #tpu.memory_space<vmem_shared>>) offsets(%dma_start3A_65 : memref<128xi32, #tpu.memory_space<vmem>>) semaphore(%run_scoped3A : memref<!tpu.dma_semaphore, #tpu.memory_space<semaphore_mem>>) {add = true}
        %dma_wait3A_68 = tpu.memref_slice %arg4[%multiple_of3A_64] : memref<10000xi32, #tpu.memory_space<vmem>> -> memref<128xi32, #tpu.memory_space<vmem>>
        %dma_wait3A_69 = arith.constant 0 : i32
        %dma_wait3A_70 = tpu.memref_slice %arg7[%dma_wait3A_69] : memref<10240xf32, #tpu.memory_space<vmem_shared>> -> memref<10240xf32, #tpu.memory_space<vmem_shared>>
        tpu.wait_indirect_dma semaphore(%run_scoped3A : memref<!tpu.dma_semaphore, #tpu.memory_space<semaphore_mem>>) src(%arg5 : memref<128xf32, #tpu.memory_space<vmem>>) dst(%dma_wait3A_70 : memref<10240xf32, #tpu.memory_space<vmem_shared>>)
        tpu.yield
      }) : () -> ()
    }
    %scan3A_51 = arith.constant 78 : i32
    "tpu.region"() ({
      %run_scoped3A = tpu.sem_alloc : memref<!tpu.dma_semaphore, #tpu.memory_space<semaphore_mem>>
      %dma_start3A_61 = arith.constant 0 : i32
      %dma_start3A_62 = tpu.memref_slice %arg5[%dma_start3A_61] : memref<128xf32, #tpu.memory_space<vmem>> -> memref<16xf32, #tpu.memory_space<vmem>>
      %dma_start3A_63 = arith.constant 9984 : i32
      %dma_start3A_64 = tpu.memref_slice %arg4[%dma_start3A_63] : memref<10000xi32, #tpu.memory_space<vmem>> -> memref<16xi32, #tpu.memory_space<vmem>>
      %dma_start3A_65 = arith.constant 0 : i32
      %dma_start3A_66 = tpu.memref_slice %arg7[%dma_start3A_65] : memref<10240xf32, #tpu.memory_space<vmem_shared>> -> memref<10240xf32, #tpu.memory_space<vmem_shared>>
      tpu.enqueue_indirect_dma source(%dma_start3A_62 : memref<16xf32, #tpu.memory_space<vmem>>) target(%dma_start3A_66 : memref<10240xf32, #tpu.memory_space<vmem_shared>>) offsets(%dma_start3A_64 : memref<16xi32, #tpu.memory_space<vmem>>) semaphore(%run_scoped3A : memref<!tpu.dma_semaphore, #tpu.memory_space<semaphore_mem>>) {add = true}
      %dma_wait3A_67 = arith.constant 0 : i32
      %dma_wait3A_68 = tpu.memref_slice %arg5[%dma_wait3A_67] : memref<128xf32, #tpu.memory_space<vmem>> -> memref<16xf32, #tpu.memory_space<vmem>>
      %dma_wait3A_69 = arith.constant 9984 : i32
      %dma_wait3A_70 = tpu.memref_slice %arg4[%dma_wait3A_69] : memref<10000xi32, #tpu.memory_space<vmem>> -> memref<16xi32, #tpu.memory_space<vmem>>
      %dma_wait3A_71 = arith.constant 0 : i32
      %dma_wait3A_72 = tpu.memref_slice %arg7[%dma_wait3A_71] : memref<10240xf32, #tpu.memory_space<vmem_shared>> -> memref<10240xf32, #tpu.memory_space<vmem_shared>>
      tpu.wait_indirect_dma semaphore(%run_scoped3A : memref<!tpu.dma_semaphore, #tpu.memory_space<semaphore_mem>>) src(%dma_wait3A_68 : memref<16xf32, #tpu.memory_space<vmem>>) dst(%dma_wait3A_72 : memref<10240xf32, #tpu.memory_space<vmem_shared>>)
      tpu.yield
    }) : () -> ()
    %barrier3A_52 = arith.constant 0 : index
    tpu.barrier barrier_id(%barrier3A_52)
    %mul3A_53 = arith.constant 10240 : i32
    %mul3A_54 = arith.muli %arg0, %mul3A_53 : i32
    %mul3A_55 = arith.constant 640 : i32
    %mul3A_56 = arith.muli %arg1, %mul3A_55 : i32
    %add3A_57 = arith.addi %mul3A_54, %mul3A_56 : i32
    %multiple_of3A_58 = tpu.assume_multiple %add3A_57, 8 : i32
    %mul3A_59 = arith.constant 640 : i32
    %mul3A_60 = arith.muli %arg1, %mul3A_59 : i32
    "tpu.region"() ({
      %run_scoped3A = tpu.sem_alloc : memref<!tpu.dma_semaphore, #tpu.memory_space<semaphore_mem>>
      %dma_start3A_61 = tpu.memref_slice %arg3[%multiple_of3A_58] : memref<20480xf32, #tpu.memory_space<hbm>> -> memref<640xf32, #tpu.memory_space<hbm>>
      %dma_start3A_62 = tpu.memref_slice %arg7[%mul3A_60] : memref<10240xf32, #tpu.memory_space<vmem_shared>> -> memref<640xf32, #tpu.memory_space<vmem_shared>>
      tpu.enqueue_dma source(%dma_start3A_62 : memref<640xf32, #tpu.memory_space<vmem_shared>>) target(%dma_start3A_61 : memref<640xf32, #tpu.memory_space<hbm>>) target_semaphore(%run_scoped3A : memref<!tpu.dma_semaphore, #tpu.memory_space<semaphore_mem>>)
      %dma_wait3A_63 = tpu.memref_slice %arg3[%multiple_of3A_58] : memref<20480xf32, #tpu.memory_space<hbm>> -> memref<640xf32, #tpu.memory_space<hbm>>
      %dma_wait3A_64 = tpu.memref_slice %arg7[%mul3A_60] : memref<10240xf32, #tpu.memory_space<vmem_shared>> -> memref<640xf32, #tpu.memory_space<vmem_shared>>
      tpu.wait_dma2 semaphore(%run_scoped3A : memref<!tpu.dma_semaphore, #tpu.memory_space<semaphore_mem>>) src(%dma_wait3A_64 : memref<640xf32, #tpu.memory_space<vmem_shared>>) dst(%dma_wait3A_63 : memref<640xf32, #tpu.memory_space<hbm>>)
      tpu.yield
    }) : () -> ()
    return
  }
}

module attributes {stable_mosaic.version = 14 : i64} {
  func.func @_tc_scale_body(%arg0: i32, %arg1: memref<1000x128xf32, #tpu.memory_space<vmem>>, %arg2: memref<20480x1xf32, #tpu.memory_space<vmem>>, %arg3: memref<1000x128xf32, #tpu.memory_space<vmem>>, %arg4: memref<1000x1xf32, #tpu.memory_space<vmem>>) attributes {dimension_semantics = [#tpu.dimension_semantics<arbitrary>], iteration_bounds = array<i64: 10>, scalar_prefetch = 0 : i64, scratch_operands = 0 : i64, tpu.core_type = #tpu.core_type<tc>, window_params = [{transform_indices = @transform_0, window_bounds = array<i64: 1000, 128>}, {pipeline_mode = #tpu.pipeline_mode<synchronous>, transform_indices = @transform_1, window_bounds = array<i64: 20480, 1>}, {transform_indices = @transform_2, window_bounds = array<i64: 1000, 128>}, {transform_indices = @transform_3, window_bounds = array<i64: 1000, 1>}]} {
    %mul3A = arith.constant 1000 : i32
    %mul3A_0 = arith.muli %arg0, %mul3A : i32
    %get3A = arith.index_cast %mul3A_0 : i32 to index
    %get3A_1 = arith.constant 0 : index
    %get3A_2 = vector.load %arg2[%get3A, %get3A_1] : memref<20480x1xf32, #tpu.memory_space<vmem>>, vector<1000x1xf32>
    %mul3A_3 = arith.constant 1000 : i32
    %mul3A_4 = arith.muli %arg0, %mul3A_3 : i32
    %add3A = arith.constant 10240 : i32
    %add3A_5 = arith.addi %add3A, %mul3A_4 : i32
    %get3A_6 = arith.index_cast %add3A_5 : i32 to index
    %get3A_7 = arith.constant 0 : index
    %get3A_8 = vector.load %arg2[%get3A_6, %get3A_7] : memref<20480x1xf32, #tpu.memory_space<vmem>>, vector<1000x1xf32>
    %add3A_9 = arith.addf %get3A_2, %get3A_8 : vector<1000x1xf32>
    %add3A_10 = arith.constant 1.000000e+00 : f32
    %add3A_11 = vector.broadcast %add3A_10 : f32 to vector<1000x1xf32>
    %add3A_12 = arith.addf %add3A_9, %add3A_11 : vector<1000x1xf32>
    %max3A = arith.constant 9.99999996E-13 : f32
    %max3A_13 = vector.broadcast %max3A : f32 to vector<1000x1xf32>
    %max3A_14 = arith.maximumf %add3A_12, %max3A_13 : vector<1000x1xf32>
    %rsqrt3A = math.rsqrt %max3A_14 : vector<1000x1xf32>
    %swap3A = arith.constant 0 : index
    %swap3A_15 = arith.constant 0 : index
    %swap3A_16 = vector.load %arg4[%swap3A, %swap3A_15] : memref<1000x1xf32, #tpu.memory_space<vmem>>, vector<1000x1xf32>
    tpu.vector_store %arg4[%swap3A, %swap3A_15], %rsqrt3A {strides = array<i32>} : memref<1000x1xf32, #tpu.memory_space<vmem>>, vector<1000x1xf32>,
    %get3A_17 = arith.constant 0 : index
    %get3A_18 = arith.constant 0 : index
    %get3A_19 = vector.load %arg1[%get3A_17, %get3A_18] : memref<1000x128xf32, #tpu.memory_space<vmem>>, vector<1000x128xf32>
    %mul3A_20 = vector.broadcast %rsqrt3A : vector<1000x1xf32> to vector<1000x128xf32>
    %mul3A_21 = arith.mulf %get3A_19, %mul3A_20 : vector<1000x128xf32>
    %swap3A_22 = arith.constant 0 : index
    %swap3A_23 = arith.constant 0 : index
    %swap3A_24 = vector.load %arg3[%swap3A_22, %swap3A_23] : memref<1000x128xf32, #tpu.memory_space<vmem>>, vector<1000x128xf32>
    tpu.vector_store %arg3[%swap3A_22, %swap3A_23], %mul3A_21 {strides = array<i32>} : memref<1000x128xf32, #tpu.memory_space<vmem>>, vector<1000x128xf32>,
    return
  }
  func.func @transform_0(%arg0: i32) -> (i32, i32) {
    %c0_i32 = arith.constant 0 : i32
    %c0_i32_0 = arith.constant 0 : i32
    return %arg0, %c0_i32 : i32, i32
  }
  func.func @transform_1(%arg0: i32) -> (i32, i32) {
    %c0_i32 = arith.constant 0 : i32
    %c0_i32_0 = arith.constant 0 : i32
    %c0_i32_1 = arith.constant 0 : i32
    return %c0_i32, %c0_i32_0 : i32, i32
  }
  func.func @transform_2(%arg0: i32) -> (i32, i32) {
    %c0_i32 = arith.constant 0 : i32
    %c0_i32_0 = arith.constant 0 : i32
    return %arg0, %c0_i32 : i32, i32
  }
  func.func @transform_3(%arg0: i32) -> (i32, i32) {
    %c0_i32 = arith.constant 0 : i32
    %c0_i32_0 = arith.constant 0 : i32
    return %arg0, %c0_i32 : i32, i32
  }
}

module attributes {stable_mosaic.version = 14 : i64} {
  func.func @_tc_mm_body(%arg0: i32, %arg1: memref<1000x128xf32, #tpu.memory_space<vmem>>, %arg2: memref<128x128xf32, #tpu.memory_space<vmem>>, %arg3: memref<128x128xf32, #tpu.memory_space<vmem>>, %arg4: memref<1x128xf32, #tpu.memory_space<vmem>>, %arg5: memref<1000x128xf32, #tpu.memory_space<vmem>>, %arg6: memref<128x128xf32, #tpu.memory_space<vmem>>, %arg7: memref<1x128xf32, #tpu.memory_space<vmem>>) attributes {dimension_semantics = [#tpu.dimension_semantics<arbitrary>], iteration_bounds = array<i64: 10>, scalar_prefetch = 0 : i64, scratch_operands = 2 : i64, tpu.core_type = #tpu.core_type<tc>, window_params = [{transform_indices = @transform_0, window_bounds = array<i64: 1000, 128>}, {pipeline_mode = #tpu.pipeline_mode<synchronous>, transform_indices = @transform_1, window_bounds = array<i64: 128, 128>}, {pipeline_mode = #tpu.pipeline_mode<synchronous>, transform_indices = @transform_2, window_bounds = array<i64: 128, 128>}, {pipeline_mode = #tpu.pipeline_mode<synchronous>, transform_indices = @transform_3, window_bounds = array<i64: 1, 128>}, {transform_indices = @transform_4, window_bounds = array<i64: 1000, 128>}]} {
    %eq3A = arith.constant 0 : i32
    %eq3A_0 = arith.cmpi eq, %arg0, %eq3A : i32
    %convert_element_type3A = arith.extui %eq3A_0 : i1 to i32
    %cond3A = arith.constant 0 : i32
    %cond3A_1 = arith.cmpi ne, %convert_element_type3A, %cond3A : i32
    scf.if %cond3A_1 {
      %get3A_14 = arith.constant 0 : index
      %get3A_15 = arith.constant 0 : index
      %get3A_16 = vector.load %arg2[%get3A_14, %get3A_15] : memref<128x128xf32, #tpu.memory_space<vmem>>, vector<128x128xf32>
      %get3A_17 = arith.constant 0 : index
      %get3A_18 = arith.constant 0 : index
      %get3A_19 = vector.load %arg3[%get3A_17, %get3A_18] : memref<128x128xf32, #tpu.memory_space<vmem>>, vector<128x128xf32>
      %dot_general3A_20 = arith.constant dense<0.000000e+00> : vector<128x128xf32>
      %dot_general3A_21 = tpu.matmul %get3A_16, %get3A_19, %dot_general3A_20 {dimension_numbers = #tpu.dot_dimension_numbers<[1], [0], [0], [1], [0, 0, 1, 1], [], []>, transpose_lhs_hint = false} : vector<128x128xf32>, vector<128x128xf32>, vector<128x128xf32> -> vector<128x128xf32>
      %swap3A_22 = arith.constant 0 : index
      %swap3A_23 = arith.constant 0 : index
      %swap3A_24 = vector.load %arg6[%swap3A_22, %swap3A_23] : memref<128x128xf32, #tpu.memory_space<vmem>>, vector<128x128xf32>
      tpu.vector_store %arg6[%swap3A_22, %swap3A_23], %dot_general3A_21 {strides = array<i32>} : memref<128x128xf32, #tpu.memory_space<vmem>>, vector<128x128xf32>,
      %get3A_25 = arith.constant 0 : index
      %get3A_26 = arith.constant 0 : index
      %get3A_27 = vector.load %arg4[%get3A_25, %get3A_26] : memref<1x128xf32, #tpu.memory_space<vmem>>, vector<1x128xf32>
      %get3A_28 = arith.constant 0 : index
      %get3A_29 = arith.constant 0 : index
      %get3A_30 = vector.load %arg3[%get3A_28, %get3A_29] : memref<128x128xf32, #tpu.memory_space<vmem>>, vector<128x128xf32>
      %dot_general3A_31 = arith.constant dense<0.000000e+00> : vector<1x128xf32>
      %dot_general3A_32 = tpu.matmul %get3A_27, %get3A_30, %dot_general3A_31 {dimension_numbers = #tpu.dot_dimension_numbers<[1], [0], [0], [1], [0, 0, 1, 1], [], []>, transpose_lhs_hint = false} : vector<1x128xf32>, vector<128x128xf32>, vector<1x128xf32> -> vector<1x128xf32>
      %swap3A_33 = arith.constant 0 : index
      %swap3A_34 = arith.constant 0 : index
      %swap3A_35 = vector.load %arg7[%swap3A_33, %swap3A_34] : memref<1x128xf32, #tpu.memory_space<vmem>>, vector<1x128xf32>
      tpu.vector_store %arg7[%swap3A_33, %swap3A_34], %dot_general3A_32 {strides = array<i32>} : memref<1x128xf32, #tpu.memory_space<vmem>>, vector<1x128xf32>,
    } else {
    }
    %get3A = arith.constant 0 : index
    %get3A_2 = arith.constant 0 : index
    %get3A_3 = vector.load %arg1[%get3A, %get3A_2] : memref<1000x128xf32, #tpu.memory_space<vmem>>, vector<1000x128xf32>
    %get3A_4 = arith.constant 0 : index
    %get3A_5 = arith.constant 0 : index
    %get3A_6 = vector.load %arg6[%get3A_4, %get3A_5] : memref<128x128xf32, #tpu.memory_space<vmem>>, vector<128x128xf32>
    %dot_general3A = arith.constant dense<0.000000e+00> : vector<1000x128xf32>
    %dot_general3A_7 = tpu.matmul %get3A_3, %get3A_6, %dot_general3A {dimension_numbers = #tpu.dot_dimension_numbers<[1], [0], [0], [1], [0, 0, 1, 1], [], []>, transpose_lhs_hint = false} : vector<1000x128xf32>, vector<128x128xf32>, vector<1000x128xf32> -> vector<1000x128xf32>
    %get3A_8 = arith.constant 0 : index
    %get3A_9 = arith.constant 0 : index
    %get3A_10 = vector.load %arg7[%get3A_8, %get3A_9] : memref<1x128xf32, #tpu.memory_space<vmem>>, vector<1x128xf32>
    %add3A = vector.broadcast %get3A_10 : vector<1x128xf32> to vector<1000x128xf32>
    %add3A_11 = arith.addf %dot_general3A_7, %add3A : vector<1000x128xf32>
    %swap3A = arith.constant 0 : index
    %swap3A_12 = arith.constant 0 : index
    %swap3A_13 = vector.load %arg5[%swap3A, %swap3A_12] : memref<1000x128xf32, #tpu.memory_space<vmem>>, vector<1000x128xf32>
    tpu.vector_store %arg5[%swap3A, %swap3A_12], %add3A_11 {strides = array<i32>} : memref<1000x128xf32, #tpu.memory_space<vmem>>, vector<1000x128xf32>,
    return
  }
  func.func @transform_0(%arg0: i32) -> (i32, i32) {
    %c0_i32 = arith.constant 0 : i32
    %c0_i32_0 = arith.constant 0 : i32
    return %arg0, %c0_i32 : i32, i32
  }
  func.func @transform_1(%arg0: i32) -> (i32, i32) {
    %c0_i32 = arith.constant 0 : i32
    %c0_i32_0 = arith.constant 0 : i32
    %c0_i32_1 = arith.constant 0 : i32
    return %c0_i32, %c0_i32_0 : i32, i32
  }
  func.func @transform_2(%arg0: i32) -> (i32, i32) {
    %c0_i32 = arith.constant 0 : i32
    %c0_i32_0 = arith.constant 0 : i32
    %c0_i32_1 = arith.constant 0 : i32
    return %c0_i32, %c0_i32_0 : i32, i32
  }
  func.func @transform_3(%arg0: i32) -> (i32, i32) {
    %c0_i32 = arith.constant 0 : i32
    %c0_i32_0 = arith.constant 0 : i32
    %c0_i32_1 = arith.constant 0 : i32
    return %c0_i32, %c0_i32_0 : i32, i32
  }
  func.func @transform_4(%arg0: i32) -> (i32, i32) {
    %c0_i32 = arith.constant 0 : i32
    %c0_i32_0 = arith.constant 0 : i32
    return %arg0, %c0_i32 : i32, i32
  }
}

module attributes {stable_mosaic.version = 14 : i64} {
  func.func @_tc_tail_body(%arg0: i32, %arg1: i32, %arg2: memref<1000x128xf32, #tpu.memory_space<vmem>>, %arg3: memref<1000x128xf32, #tpu.memory_space<vmem>>, %arg4: memref<1000x128xf32, #tpu.memory_space<vmem>>, %arg5: memref<1000x1xf32, #tpu.memory_space<vmem>>, %arg6: memref<1x128xf32, #tpu.memory_space<vmem>>, %arg7: memref<1x128xf32, #tpu.memory_space<vmem>>, %arg8: memref<1x128xf32, #tpu.memory_space<vmem>>, %arg9: memref<1000x1xi32, #tpu.memory_space<vmem>>, %arg10: memref<128x40xf32, #tpu.memory_space<vmem>>, %arg11: memref<1x40xf32, #tpu.memory_space<vmem>>, %arg12: memref<64x40xf32, #tpu.memory_space<vmem>>, %arg13: memref<10000x128xf32, #tpu.memory_space<vmem>>, %arg14: memref<2x128xf32, #tpu.memory_space<vmem>>, %arg15: memref<64x128xf32, #tpu.memory_space<vmem>>) attributes {dimension_semantics = [#tpu.dimension_semantics<arbitrary>, #tpu.dimension_semantics<arbitrary>], iteration_bounds = array<i64: 2, 10>, scalar_prefetch = 0 : i64, scratch_operands = 3 : i64, tpu.core_type = #tpu.core_type<tc>, window_params = [{transform_indices = @transform_0, window_bounds = array<i64: 1000, 128>}, {transform_indices = @transform_1, window_bounds = array<i64: 1000, 128>}, {transform_indices = @transform_2, window_bounds = array<i64: 1000, 128>}, {transform_indices = @transform_3, window_bounds = array<i64: 1000, 1>}, {pipeline_mode = #tpu.pipeline_mode<synchronous>, transform_indices = @transform_4, window_bounds = array<i64: 1, 128>}, {pipeline_mode = #tpu.pipeline_mode<synchronous>, transform_indices = @transform_5, window_bounds = array<i64: 1, 128>}, {pipeline_mode = #tpu.pipeline_mode<synchronous>, transform_indices = @transform_6, window_bounds = array<i64: 1, 128>}, {transform_indices = @transform_7, window_bounds = array<i64: 1000, 1>}, {pipeline_mode = #tpu.pipeline_mode<synchronous>, transform_indices = @transform_8, window_bounds = array<i64: 128, 40>}, {pipeline_mode = #tpu.pipeline_mode<synchronous>, transform_indices = @transform_9, window_bounds = array<i64: 1, 40>}, {pipeline_mode = #tpu.pipeline_mode<synchronous>, transform_indices = @transform_10, window_bounds = array<i64: 64, 40>}]} {
    %eq3A = arith.constant 0 : i32
    %eq3A_0 = arith.cmpi eq, %arg0, %eq3A : i32
    %eq3A_1 = arith.constant 0 : i32
    %eq3A_2 = arith.cmpi eq, %arg1, %eq3A_1 : i32
    %and3A = arith.andi %eq3A_0, %eq3A_2 : i1
    %convert_element_type3A = arith.extui %and3A : i1 to i32
    %cond3A = arith.constant 0 : i32
    %cond3A_3 = arith.cmpi ne, %convert_element_type3A, %cond3A : i32
    scf.if %cond3A_3 {
      %broadcast_in_dim3A = arith.constant 0.000000e+00 : f32
      %broadcast_in_dim3A_14 = vector.broadcast %broadcast_in_dim3A : f32 to vector<2x128xf32>
      %swap3A = arith.constant 0 : index
      %swap3A_15 = arith.constant 0 : index
      %swap3A_16 = vector.load %arg14[%swap3A, %swap3A_15] : memref<2x128xf32, #tpu.memory_space<vmem>>, vector<2x128xf32>
      tpu.vector_store %arg14[%swap3A, %swap3A_15], %broadcast_in_dim3A_14 {strides = array<i32>} : memref<2x128xf32, #tpu.memory_space<vmem>>, vector<2x128xf32>,
      %broadcast_in_dim3A_17 = arith.constant 0.000000e+00 : f32
      %broadcast_in_dim3A_18 = vector.broadcast %broadcast_in_dim3A_17 : f32 to vector<64x128xf32>
      %swap3A_19 = arith.constant 0 : index
      %swap3A_20 = arith.constant 0 : index
      %swap3A_21 = vector.load %arg15[%swap3A_19, %swap3A_20] : memref<64x128xf32, #tpu.memory_space<vmem>>, vector<64x128xf32>
      tpu.vector_store %arg15[%swap3A_19, %swap3A_20], %broadcast_in_dim3A_18 {strides = array<i32>} : memref<64x128xf32, #tpu.memory_space<vmem>>, vector<64x128xf32>,
    } else {
    }
    %eq3A_4 = arith.constant 0 : i32
    %eq3A_5 = arith.cmpi eq, %arg0, %eq3A_4 : i32
    %convert_element_type3A_6 = arith.extui %eq3A_5 : i1 to i32
    %cond3A_7 = arith.constant 0 : i32
    %cond3A_8 = arith.cmpi ne, %convert_element_type3A_6, %cond3A_7 : i32
    scf.if %cond3A_8 {
      %get3A = arith.constant 0 : index
      %get3A_14 = arith.constant 0 : index
      %get3A_15 = vector.load %arg5[%get3A, %get3A_14] : memref<1000x1xf32, #tpu.memory_space<vmem>>, vector<1000x1xf32>
      %get3A_16 = arith.constant 0 : index
      %get3A_17 = arith.constant 0 : index
      %get3A_18 = vector.load %arg2[%get3A_16, %get3A_17] : memref<1000x128xf32, #tpu.memory_space<vmem>>, vector<1000x128xf32>
      %get3A_19 = arith.constant 0 : index
      %get3A_20 = arith.constant 0 : index
      %get3A_21 = vector.load %arg3[%get3A_19, %get3A_20] : memref<1000x128xf32, #tpu.memory_space<vmem>>, vector<1000x128xf32>
      %add3A = arith.addf %get3A_18, %get3A_21 : vector<1000x128xf32>
      %get3A_22 = arith.constant 0 : index
      %get3A_23 = arith.constant 0 : index
      %get3A_24 = vector.load %arg4[%get3A_22, %get3A_23] : memref<1000x128xf32, #tpu.memory_space<vmem>>, vector<1000x128xf32>
      %add3A_25 = arith.addf %add3A, %get3A_24 : vector<1000x128xf32>
      %mul3A = vector.broadcast %get3A_15 : vector<1000x1xf32> to vector<1000x128xf32>
      %mul3A_26 = arith.mulf %mul3A, %add3A_25 : vector<1000x128xf32>
      %get3A_27 = arith.constant 0 : index
      %get3A_28 = arith.constant 0 : index
      %get3A_29 = vector.load %arg6[%get3A_27, %get3A_28] : memref<1x128xf32, #tpu.memory_space<vmem>>, vector<1x128xf32>
      %add3A_30 = vector.broadcast %get3A_29 : vector<1x128xf32> to vector<1000x128xf32>
      %add3A_31 = arith.addf %mul3A_26, %add3A_30 : vector<1000x128xf32>
      %mul3A_32 = arith.constant 1000 : i32
      %mul3A_33 = arith.muli %arg1, %mul3A_32 : i32
      %swap3A = arith.index_cast %mul3A_33 : i32 to index
      %swap3A_34 = arith.constant 0 : index
      %swap3A_35 = vector.load %arg13[%swap3A, %swap3A_34] : memref<10000x128xf32, #tpu.memory_space<vmem>>, vector<1000x128xf32>
      tpu.vector_store %arg13[%swap3A, %swap3A_34], %add3A_31 {strides = array<i32>} : memref<10000x128xf32, #tpu.memory_space<vmem>>, vector<1000x128xf32>,
      %get3A_36 = arith.constant 0 : index
      %get3A_37 = arith.constant 0 : index
      %get3A_38 = vector.load %arg14[%get3A_36, %get3A_37] : memref<2x128xf32, #tpu.memory_space<vmem>>, vector<1x128xf32>
      %reduce_sum3A = arith.constant dense<0.000000e+00> : vector<128xf32>
      %reduce_sum3A_39 = vector.multi_reduction <add>, %add3A_31, %reduce_sum3A [0] : vector<1000x128xf32> to vector<128xf32>
      %broadcast_in_dim3A = vector.shape_cast %reduce_sum3A_39 : vector<128xf32> to vector<1x128xf32>
      %add3A_40 = arith.addf %get3A_38, %broadcast_in_dim3A : vector<1x128xf32>
      %swap3A_41 = arith.constant 0 : index
      %swap3A_42 = arith.constant 0 : index
      %swap3A_43 = vector.load %arg14[%swap3A_41, %swap3A_42] : memref<2x128xf32, #tpu.memory_space<vmem>>, vector<1x128xf32>
      tpu.vector_store %arg14[%swap3A_41, %swap3A_42], %add3A_40 {strides = array<i32>} : memref<2x128xf32, #tpu.memory_space<vmem>>, vector<1x128xf32>,
      %get3A_44 = arith.constant 1 : index
      %get3A_45 = arith.constant 0 : index
      %get3A_46 = vector.load %arg14[%get3A_44, %get3A_45] : memref<2x128xf32, #tpu.memory_space<vmem>>, vector<1x128xf32>
      %mul3A_47 = arith.mulf %add3A_31, %add3A_31 : vector<1000x128xf32>
      %reduce_sum3A_48 = arith.constant dense<0.000000e+00> : vector<128xf32>
      %reduce_sum3A_49 = vector.multi_reduction <add>, %mul3A_47, %reduce_sum3A_48 [0] : vector<1000x128xf32> to vector<128xf32>
      %broadcast_in_dim3A_50 = vector.shape_cast %reduce_sum3A_49 : vector<128xf32> to vector<1x128xf32>
      %add3A_51 = arith.addf %get3A_46, %broadcast_in_dim3A_50 : vector<1x128xf32>
      %swap3A_52 = arith.constant 1 : index
      %swap3A_53 = arith.constant 0 : index
      %swap3A_54 = vector.load %arg14[%swap3A_52, %swap3A_53] : memref<2x128xf32, #tpu.memory_space<vmem>>, vector<1x128xf32>
      tpu.vector_store %arg14[%swap3A_52, %swap3A_53], %add3A_51 {strides = array<i32>} : memref<2x128xf32, #tpu.memory_space<vmem>>, vector<1x128xf32>,
    } else {
    }
    %eq3A_9 = arith.constant 1 : i32
    %eq3A_10 = arith.cmpi eq, %arg0, %eq3A_9 : i32
    %convert_element_type3A_11 = arith.extui %eq3A_10 : i1 to i32
    %cond3A_12 = arith.constant 0 : i32
    %cond3A_13 = arith.cmpi ne, %convert_element_type3A_11, %cond3A_12 : i32
    scf.if %cond3A_13 {
      %get3A = arith.constant 0 : index
      %get3A_14 = arith.constant 0 : index
      %get3A_15 = vector.load %arg14[%get3A, %get3A_14] : memref<2x128xf32, #tpu.memory_space<vmem>>, vector<1x128xf32>
      %div3A = arith.constant 1.000000e+04 : f32
      %div3A_16 = vector.broadcast %div3A : f32 to vector<1x128xf32>
      %div3A_17 = arith.divf %get3A_15, %div3A_16 : vector<1x128xf32>
      %get3A_18 = arith.constant 1 : index
      %get3A_19 = arith.constant 0 : index
      %get3A_20 = vector.load %arg14[%get3A_18, %get3A_19] : memref<2x128xf32, #tpu.memory_space<vmem>>, vector<1x128xf32>
      %div3A_21 = arith.constant 1.000000e+04 : f32
      %div3A_22 = vector.broadcast %div3A_21 : f32 to vector<1x128xf32>
      %div3A_23 = arith.divf %get3A_20, %div3A_22 : vector<1x128xf32>
      %mul3A = arith.mulf %div3A_17, %div3A_17 : vector<1x128xf32>
      %sub3A = arith.subf %div3A_23, %mul3A : vector<1x128xf32>
      %add3A = arith.constant 9.99999974E-6 : f32
      %add3A_24 = vector.broadcast %add3A : f32 to vector<1x128xf32>
      %add3A_25 = arith.addf %sub3A, %add3A_24 : vector<1x128xf32>
      %rsqrt3A = math.rsqrt %add3A_25 : vector<1x128xf32>
      %get3A_26 = arith.constant 0 : index
      %get3A_27 = arith.constant 0 : index
      %get3A_28 = vector.load %arg7[%get3A_26, %get3A_27] : memref<1x128xf32, #tpu.memory_space<vmem>>, vector<1x128xf32>
      %mul3A_29 = arith.mulf %get3A_28, %rsqrt3A : vector<1x128xf32>
      %get3A_30 = arith.constant 0 : index
      %get3A_31 = arith.constant 0 : index
      %get3A_32 = vector.load %arg8[%get3A_30, %get3A_31] : memref<1x128xf32, #tpu.memory_space<vmem>>, vector<1x128xf32>
      %mul3A_33 = arith.mulf %div3A_17, %mul3A_29 : vector<1x128xf32>
      %sub3A_34 = arith.subf %get3A_32, %mul3A_33 : vector<1x128xf32>
      %mul3A_35 = arith.constant 1000 : i32
      %mul3A_36 = arith.muli %arg1, %mul3A_35 : i32
      %get3A_37 = arith.index_cast %mul3A_36 : i32 to index
      %get3A_38 = arith.constant 0 : index
      %get3A_39 = vector.load %arg13[%get3A_37, %get3A_38] : memref<10000x128xf32, #tpu.memory_space<vmem>>, vector<1000x128xf32>
      %mul3A_40 = vector.broadcast %mul3A_29 : vector<1x128xf32> to vector<1000x128xf32>
      %mul3A_41 = arith.mulf %get3A_39, %mul3A_40 : vector<1000x128xf32>
      %add3A_42 = vector.broadcast %sub3A_34 : vector<1x128xf32> to vector<1000x128xf32>
      %add3A_43 = arith.addf %mul3A_41, %add3A_42 : vector<1000x128xf32>
      %max3A = arith.constant 0.000000e+00 : f32
      %max3A_44 = vector.broadcast %max3A : f32 to vector<1000x128xf32>
      %max3A_45 = arith.maximumf %add3A_43, %max3A_44 : vector<1000x128xf32>
      %iota3A = tpu.iota {dimensions = array<i32: 1>} : vector<1000x64xi32>
      %get3A_46 = arith.constant 0 : index
      %get3A_47 = arith.constant 0 : index
      %get3A_48 = vector.load %arg9[%get3A_46, %get3A_47] : memref<1000x1xi32, #tpu.memory_space<vmem>>, vector<1000x1xi32>
      %eq3A_49 = vector.broadcast %get3A_48 : vector<1000x1xi32> to vector<1000x64xi32>
      %eq3A_50 = arith.cmpi eq, %eq3A_49, %iota3A : vector<1000x64xi32>
      %jit3A = arith.constant 1.000000e+00 : f32
      %jit3A_51 = arith.constant 0.000000e+00 : f32
      %broadcast_in_dim3A = vector.broadcast %jit3A : f32 to vector<1000x64xf32>
      %broadcast_in_dim3A_52 = vector.broadcast %jit3A_51 : f32 to vector<1000x64xf32>
      %select_n3A = arith.select %eq3A_50, %broadcast_in_dim3A, %broadcast_in_dim3A_52 : vector<1000x64xi1>, vector<1000x64xf32>
      %get3A_53 = arith.constant 0 : index
      %get3A_54 = arith.constant 0 : index
      %get3A_55 = vector.load %arg15[%get3A_53, %get3A_54] : memref<64x128xf32, #tpu.memory_space<vmem>>, vector<64x128xf32>
      %dot_general3A = arith.constant dense<0.000000e+00> : vector<64x128xf32>
      %dot_general3A_56 = tpu.matmul %select_n3A, %max3A_45, %dot_general3A {dimension_numbers = #tpu.dot_dimension_numbers<[0], [0], [1], [1], [0, 1, 1, 1], [], []>, transpose_lhs_hint = false} : vector<1000x64xf32>, vector<1000x128xf32>, vector<64x128xf32> -> vector<64x128xf32>
      %add3A_57 = arith.addf %get3A_55, %dot_general3A_56 : vector<64x128xf32>
      %swap3A = arith.constant 0 : index
      %swap3A_58 = arith.constant 0 : index
      %swap3A_59 = vector.load %arg15[%swap3A, %swap3A_58] : memref<64x128xf32, #tpu.memory_space<vmem>>, vector<64x128xf32>
      tpu.vector_store %arg15[%swap3A, %swap3A_58], %add3A_57 {strides = array<i32>} : memref<64x128xf32, #tpu.memory_space<vmem>>, vector<64x128xf32>,
      %eq3A_60 = arith.constant 9 : i32
      %eq3A_61 = arith.cmpi eq, %arg1, %eq3A_60 : i32
      %convert_element_type3A_62 = arith.extui %eq3A_61 : i1 to i32
      %cond3A_63 = arith.constant 0 : i32
      %cond3A_64 = arith.cmpi ne, %convert_element_type3A_62, %cond3A_63 : i32
      scf.if %cond3A_64 {
        %get3A_65 = arith.constant 0 : index
        %get3A_66 = arith.constant 0 : index
        %get3A_67 = vector.load %arg15[%get3A_65, %get3A_66] : memref<64x128xf32, #tpu.memory_space<vmem>>, vector<64x128xf32>
        %get3A_68 = arith.constant 0 : index
        %get3A_69 = arith.constant 0 : index
        %get3A_70 = vector.load %arg10[%get3A_68, %get3A_69] : memref<128x40xf32, #tpu.memory_space<vmem>>, vector<128x40xf32>
        %dot_general3A_71 = arith.constant dense<0.000000e+00> : vector<64x40xf32>
        %dot_general3A_72 = tpu.matmul %get3A_67, %get3A_70, %dot_general3A_71 {dimension_numbers = #tpu.dot_dimension_numbers<[1], [0], [0], [1], [0, 0, 1, 1], [], []>, transpose_lhs_hint = false} : vector<64x128xf32>, vector<128x40xf32>, vector<64x40xf32> -> vector<64x40xf32>
        %get3A_73 = arith.constant 0 : index
        %get3A_74 = arith.constant 0 : index
        %get3A_75 = vector.load %arg11[%get3A_73, %get3A_74] : memref<1x40xf32, #tpu.memory_space<vmem>>, vector<1x40xf32>
        %add3A_76 = vector.broadcast %get3A_75 : vector<1x40xf32> to vector<64x40xf32>
        %add3A_77 = arith.addf %dot_general3A_72, %add3A_76 : vector<64x40xf32>
        %swap3A_78 = arith.constant 0 : index
        %swap3A_79 = arith.constant 0 : index
        %swap3A_80 = vector.load %arg12[%swap3A_78, %swap3A_79] : memref<64x40xf32, #tpu.memory_space<vmem>>, vector<64x40xf32>
        tpu.vector_store %arg12[%swap3A_78, %swap3A_79], %add3A_77 {strides = array<i32>} : memref<64x40xf32, #tpu.memory_space<vmem>>, vector<64x40xf32>,
      } else {
      }
    } else {
    }
    return
  }
  func.func @transform_0(%arg0: i32, %arg1: i32) -> (i32, i32) {
    %sub3A = arith.constant 1 : i32
    %sub3A_0 = arith.subi %sub3A, %arg0 : i32
    %mul3A = arith.muli %sub3A_0, %arg1 : i32
    %c0_i32 = arith.constant 0 : i32
    %c0_i32_1 = arith.constant 0 : i32
    return %mul3A, %c0_i32 : i32, i32
  }
  func.func @transform_1(%arg0: i32, %arg1: i32) -> (i32, i32) {
    %sub3A = arith.constant 1 : i32
    %sub3A_0 = arith.subi %sub3A, %arg0 : i32
    %mul3A = arith.muli %sub3A_0, %arg1 : i32
    %add3A = arith.constant 10 : i32
    %add3A_1 = arith.addi %mul3A, %add3A : i32
    %c0_i32 = arith.constant 0 : i32
    %c0_i32_2 = arith.constant 0 : i32
    return %add3A_1, %c0_i32 : i32, i32
  }
  func.func @transform_2(%arg0: i32, %arg1: i32) -> (i32, i32) {
    %sub3A = arith.constant 1 : i32
    %sub3A_0 = arith.subi %sub3A, %arg0 : i32
    %mul3A = arith.muli %sub3A_0, %arg1 : i32
    %c0_i32 = arith.constant 0 : i32
    %c0_i32_1 = arith.constant 0 : i32
    return %mul3A, %c0_i32 : i32, i32
  }
  func.func @transform_3(%arg0: i32, %arg1: i32) -> (i32, i32) {
    %sub3A = arith.constant 1 : i32
    %sub3A_0 = arith.subi %sub3A, %arg0 : i32
    %mul3A = arith.muli %sub3A_0, %arg1 : i32
    %c0_i32 = arith.constant 0 : i32
    %c0_i32_1 = arith.constant 0 : i32
    return %mul3A, %c0_i32 : i32, i32
  }
  func.func @transform_4(%arg0: i32, %arg1: i32) -> (i32, i32) {
    %c0_i32 = arith.constant 0 : i32
    %c0_i32_0 = arith.constant 0 : i32
    %c0_i32_1 = arith.constant 0 : i32
    return %c0_i32, %c0_i32_0 : i32, i32
  }
  func.func @transform_5(%arg0: i32, %arg1: i32) -> (i32, i32) {
    %c0_i32 = arith.constant 0 : i32
    %c0_i32_0 = arith.constant 0 : i32
    %c0_i32_1 = arith.constant 0 : i32
    return %c0_i32, %c0_i32_0 : i32, i32
  }
  func.func @transform_6(%arg0: i32, %arg1: i32) -> (i32, i32) {
    %c0_i32 = arith.constant 0 : i32
    %c0_i32_0 = arith.constant 0 : i32
    %c0_i32_1 = arith.constant 0 : i32
    return %c0_i32, %c0_i32_0 : i32, i32
  }
  func.func @transform_7(%arg0: i32, %arg1: i32) -> (i32, i32) {
    %mul3A = arith.muli %arg0, %arg1 : i32
    %c0_i32 = arith.constant 0 : i32
    %c0_i32_0 = arith.constant 0 : i32
    return %mul3A, %c0_i32 : i32, i32
  }
  func.func @transform_8(%arg0: i32, %arg1: i32) -> (i32, i32) {
    %c0_i32 = arith.constant 0 : i32
    %c0_i32_0 = arith.constant 0 : i32
    %c0_i32_1 = arith.constant 0 : i32
    return %c0_i32, %c0_i32_0 : i32, i32
  }
  func.func @transform_9(%arg0: i32, %arg1: i32) -> (i32, i32) {
    %c0_i32 = arith.constant 0 : i32
    %c0_i32_0 = arith.constant 0 : i32
    %c0_i32_1 = arith.constant 0 : i32
    return %c0_i32, %c0_i32_0 : i32, i32
  }
  func.func @transform_10(%arg0: i32, %arg1: i32) -> (i32, i32) {
    %c0_i32 = arith.constant 0 : i32
    %c0_i32_0 = arith.constant 0 : i32
    %c0_i32_1 = arith.constant 0 : i32
    return %c0_i32, %c0_i32_0 : i32, i32
  }
}

</mosaic_0001>

<sc_bundles>
// kernel: kernel.10.cloned.1.call-start
scs
__scs_entry_jumppad:
0x0: {  	(pc) =	sbr.rel $0x88, $3  }
0x1: {  	(tag) =	ssettag $0x0;
	lr =	simm.s32 $0x1  }
0x2: {  	[smem:$0x3F96] =	sst lr;
	_ =	strace $0xD0000000  }
0x3: {  	_ = 	snop  }
0x4: {  	_ = 	snop  }
0x5: {  	_ = 	snop  }
0x6: {  	_ = 	snop  }
0x7: {  	_ = 	snop  }
__scs_overlays_trampoline_lowered:
0x8: {  	[smem:$0x3FA5] =	sst s0  }
0x9: {  	[smem:$0x3FA6] =	sst s1  }
0xa: {  	[smem:$0x3FA7] =	sst s2  }
0xb: {  	[smem:$0x3FA8] =	sst s3  }
0xc: {  	[smem:$0x3FA9] =	sst s4  }
0xd: {  	[smem:$0x3FAA] =	sst s5  }
0xe: {  	[smem:$0x3FAB] =	sst s6  }
0xf: {  	[smem:$0x3FAC] =	sst s7  }
0x10: {  	[smem:$0x3FAD] =	sst s8  }
0x11: {  	[smem:$0x3FAE] =	sst s9;
	s0 =	simm.s32 @!p0 $0x0  }
0x12: {  	s1 =	sld [smem:$0x3F94];
	s0 =	simm.s32 @p0 $0x1  }
0x13: {  	[smem:$0x3FAF] =	sst s0;
	s0 =	simm.s32 @!p1 $0x0  }
0x14: {  	s2 =	sld [smem:$0x3F93];
	s0 =	simm.s32 @p1 $0x1  }
0x15: {  	[smem:$0x3FB0] =	sst s0;
	s0 =	simm.s32 @!p2 $0x0  }
0x16: {  	s3 =	sld [smem:$0x3FDB];
	s0 =	simm.s32 @p2 $0x1  }
0x17: {  	s4 =	simm.s32 $0x1BF5;
	[smem:$0x3FB2] =	sst s0  }
0x18: {  	s0 =	sld [smem:$0x3F95];
	_ =	swait.ge [sflag:s4], $0x0  }
0x19: {  	s7 =	sld [smem:$0x3F96]  }
0x1a: {  	s8 =	sadd.s32 $0xFFFFE003, lr  }
0x1b: {  	s9 =	sadd.s32 $0xFFFFFEF7, lr;
	s5 =	simm.s32 $0xFFFFFFFF;
	p2 =	slt.u32 s8, $0xFFFFF086  }
0x1c: {  	p1 =	slt.u32 s9, $0xF7A;
	s5 =	simm.s32 @!p2 $0x0  }
0x1d: {  	s5 =	simm.s32 @p1 $0x1;
	p0 =	seq.s32 s7, s2  }
0x1e: {  	s7 =	smul.u32 @!p0 $0xF7A, s2;
	p2 =	seq.s32 @!p0 s5, $0x0  }
0x1f: {  	s9 =	smul.u32 $0xF7A, s1;
	s8 =	simm.s32 @!p0 $0x1BF5;
	p2 =	por !p2, p0  }
0x20: {  	[sflag:s8] =	ssyncset.s32 @!p0 $0xFFFFF086;
	s6 =	sadd.s32 @!p0 s3, s7;
	s7 =	simm.s32 @!p0 $0x108  }
0x21: {  	s3 =	sadd.s32 s3, s9;
	s6 =	sadd.s32 @!p0 $0x88, s6;
	s7 =	simm.s32 @p2 $0x1082  }
0x22: {  	[simem:s7], [sflag:s8] =	dma.local @!p0 [hbm:s6], $0xF7A  }
0x23: {  	s9 =	sor.u32 $0xD0000000, s2;
	s6 =	simm.s32 $0x108;
	_ =	swait.ge @!p0 [sflag:s8], $0x0  }
0x24: {  	s3 =	sadd.s32 $0x88, s3;
	s6 =	simm.s32 @!p1 $0x1082;
	[sflag:s4] =	ssyncset.s32 $0xFFFFF086  }
0x25: {  	[simem:s6], [sflag:s4] =	dma.local [hbm:s3], $0xF7A  }
0x26: {  	[smem:$0x3F96] =	sst s1;
	(tag) =	ssettag s2;
	_ =	strace s9  }
0x27: {  	s1 =	sld [smem:$0x3FA6]  }
0x28: {  	s2 =	sld [smem:$0x3FA7]  }
0x29: {  	s4 =	sld [smem:$0x3FA9]  }
0x2a: {  	p0 =	seq.s32 s5, $0x0;
	s5 =	sld [smem:$0x3FAA]  }
0x2b: {  	s6 =	sld [smem:$0x3FAB]  }
0x2c: {  	s7 =	sld [smem:$0x3FAC]  }
0x2d: {  	s3 =	simm.s32 $0x108;
	s8 =	sld [smem:$0x3FAD]  }
0x2e: {  	s3 =	simm.s32 @!p0 $0x1082;
	s9 =	sld [smem:$0x3FAE]  }
0x2f: {  	lr =	sadd.s32 s0, s3;
	s0 =	sld [smem:$0x3FA5]  }
0x30: {  	s3 =	sld [smem:$0x3FA8]  }
0x31: {  	[smem:$0x3FB1] =	sst s10  }
0x32: {  	s10 =	sld [smem:$0x3FAF];
	_ =	sdelay $0x3  }
0x33: {  	p0 =	seq.s32 s10, $0x1;
	s10 =	sld [smem:$0x3FB1];
	_ =	sdelay $0x3  }
0x34: {  	[smem:$0x3FB1] =	sst s10  }
0x35: {  	s10 =	sld [smem:$0x3FB0];
	_ =	sdelay $0x3  }
0x36: {  	p1 =	seq.s32 s10, $0x1;
	s10 =	sld [smem:$0x3FB1];
	_ =	sdelay $0x3  }
0x37: {  	[smem:$0x3FB1] =	sst s10  }
0x38: {  	s10 =	sld [smem:$0x3FB2]  }
0x39: {  	_ = 	snop;
	(pc) =	sbr.ind lr, $3  }
0x3a: {  	_ = 	snop  }
0x3b: {  	_ = 	snop  }
0x3c: {  	p2 =	seq.s32 s10, $0x1;
	s10 =	sld [smem:$0x3FB1]  }
0x3d: {  	_ =	shalt  }
0x3e: {  	_ =	shalt  }
0x3f: {  	_ =	shalt  }
0x40: {  	_ =	shalt  }
0x41: {  	_ =	shalt  }
0x42: {  	_ =	shalt  }
0x43: {  	_ =	shalt  }
0x44: {  	_ =	shalt  }
0x45: {  	_ =	shalt  }
0x46: {  	_ =	shalt  }
0x47: {  	_ =	shalt  }
0x48: {  	_ =	shalt  }
0x49: {  	_ =	shalt  }
0x4a: {  	_ =	shalt  }
0x4b: {  	_ =	shalt  }
0x4c: {  	_ =	shalt  }
0x4d: {  	_ =	shalt  }
0x4e: {  	_ =	shalt  }
0x4f: {  	_ =	shalt  }
0x50: {  	_ =	shalt  }
0x51: {  	_ =	shalt  }
0x52: {  	_ =	shalt  }
0x53: {  	_ =	shalt  }
0x54: {  	_ =	shalt  }
0x55: {  	_ =	shalt  }
0x56: {  	_ =	shalt  }
0x57: {  	_ =	shalt  }
0x58: {  	_ =	shalt  }
0x59: {  	_ =	shalt  }
0x5a: {  	_ =	shalt  }
0x5b: {  	_ =	shalt  }
0x5c: {  	_ =	shalt  }
0x5d: {  	_ =	shalt  }
0x5e: {  	_ =	shalt  }
0x5f: {  	_ =	shalt  }
0x60: {  	_ =	shalt  }
0x61: {  	_ =	shalt  }
0x62: {  	_ =	shalt  }
0x63: {  	_ =	shalt  }
0x64: {  	_ =	shalt  }
0x65: {  	_ =	shalt  }
0x66: {  	_ =	shalt  }
0x67: {  	_ =	shalt  }
0x68: {  	_ =	shalt  }
0x69: {  	_ =	shalt  }
0x6a: {  	_ =	shalt  }
0x6b: {  	_ =	shalt  }
0x6c: {  	_ =	shalt  }
0x6d: {  	_ =	shalt  }
0x6e: {  	_ =	shalt  }
0x6f: {  	_ =	shalt  }
0x70: {  	_ =	shalt  }
0x71: {  	_ =	shalt  }
0x72: {  	_ =	shalt  }
0x73: {  	_ =	shalt  }
0x74: {  	_ =	shalt  }
0x75: {  	_ =	shalt  }
0x76: {  	_ =	shalt  }
0x77: {  	_ =	shalt  }
0x78: {  	_ =	shalt  }
0x79: {  	_ =	shalt  }
0x7a: {  	_ =	shalt  }
0x7b: {  	_ =	shalt  }
0x7c: {  	_ =	shalt  }
0x7d: {  	_ =	shalt  }
0x7e: {  	_ =	shalt  }
0x7f: {  	_ =	shalt  }
0x80: {  	_ =	shalt  }
0x81: {  	_ =	shalt  }
0x82: {  	_ =	shalt  }
0x83: {  	_ =	shalt  }
0x84: {  	_ =	shalt  }
0x85: {  	_ =	shalt  }
0x86: {  	_ =	shalt  }
0x87: {  	_ =	shalt  }
.Lfunc_end0:
.L_simem_size_0:
called_computation.1_lowered:
.L_overlay_start_0:
0x88: {  	s2 =	sld [smem:$0x3FD9]  }
0x89: {  	s3 =	sld [smem:$0x3FFE];
	_ =	sdelay $0x1  }
0x8a: {  	s1 =	srdreg.scid  }
0x8b: {  	s0 =	sand.u32 $0x1, s1  }
0x8c: {  	s16 =	sshll.u32 s0, $0xA;
	s2 =	sadd.s32 s3, s2  }
0x8d: {  	s2 =	sadd.s32 s2, s16  }
0x8e: {  	[smem:$0x3FBD] =	sst s2  }
0x8f: {  	_ = 	snop  }
0x90: {  	(tm) =	ssettm $0x1  }
0x91: {  	s17 =	sld [smem:$0x3FFB];
	_ =	sdelay $0x3  }
0x92: {  	_ =	strace s17  }
0x93: {  	s2 =	sld [smem:$0x3FFC];
	_ =	sdelay $0x3  }
0x94: {  	_ =	strace s2  }
0x95: {  	s2 =	sld [smem:$0x3FFD];
	_ =	sdelay $0x3  }
0x96: {  	_ =	strace s2  }
0x97: {  	_ =	strace $0x8FFFFFFF  }
0x98: {  	s18 =	sld [smem:$0x3FDB];
	_ =	sdelay $0x1  }
0x99: {  	s19 =	simm.s32 $_scs_section_size  }
0x9a: {  	s4 =	simm.s32 $_size__tile_overlayer_lowered;
	s5 =	simm.s32 $_tile_overlayer_lowered  }
0x9b: {  	s22 =	simm.s32 $0x1BFF;
	s21 =	sshll.u32 s5, $0x1;
	s2 =	sadd.s32 s19, s18  }
0x9c: {  	s6 =	simm.s32 $0x0;
	s20 =	sshll.u32 s4, $0x1;
	s4 =	sadd.s32 s21, s2  }
0x9d: {  	[timem:s6], [sflag:s22] =	dma.local [hbm:s4], s20  }
0x9e: {  	_ =	swait.ge [sflag:s22], s20  }
0x9f: {  	s3 =	ssub.s32 $0x0, s20;
	[sflag:s22] =	ssyncset.done $0x0  }
0xa0: {  	[sflag:s22] =	ssyncadd.s32 s3;
	_ =	sdelay $0x1  }
0xa1: {  	s23 =	simm.s32 $0x1B8B  }
0xa2: {  	_ =	swait.ge [sflag:s23], $0x1  }
0xa3: {  	[sflag:s23] =	ssyncset.done $0x0  }
0xa4: {  	s25 =	simm.s32 $0x1B8E;
	s24 =	sld [smem:$0x3FFE];
	[sflag:s23] =	ssyncadd.s32 $0xFFFFFFFF  }
0xa5: {  	s26 =	simm.s32 $execute0_lowered;
	[smem:$0x3FD2] =	sst s25  }
0xa6: {  	s4 =	sshll.u32 s26, $0x1;
	_ =	strace $0x80000049;
	[dreg:$0x1] =	wrdreg $0xFFFFFFFF  }
0xa7: {  	s28 =	simm.s32 $_size_execute0_lowered;
	s2 =	sadd.s32 s2, s4;
	[dreg:$0x0] =	wrdreg $0x0  }
0xa8: {  	s4 =	sshll.u32 s28, $0x1;
	[dreg:$0x2] =	wrdreg s2  }
0xa9: {  	[dreg:$0x3] =	wrdreg s4  }
0xaa: {  	[dreg:$0x4] =	wrdreg $0xC0  }
0xab: {  	_ =	task [dreg:s6], $0x5FFFF  }
0xac: {  	[dreg:$0x1] =	wrdreg $0xFFFFFFFF  }
0xad: {  	[dreg:$0x0] =	wrdreg $0x60  }
0xae: {  	[dreg:$0x2] =	wrdreg s24  }
0xaf: {  	[dreg:$0x3] =	wrdreg $0xAF000  }
0xb0: {  	[dreg:$0x4] =	wrdreg $0x9  }
0xb1: {  	_ =	task.clear_ibuf [dreg:s6], $0x5FFFF;
	_ =	strace $0x90000049  }
0xb2: {  	s29 =	simm.s32 $0x9;
	_ =	strace $0x8000004B  }
0xb3: {  	_ =	swait.ge [sflag:s29], $0x1  }
0xb4: {  	[sflag:s29] =	ssyncadd.s32 $0xFFFFFFFF  }
0xb5: {  	_ =	strace $0x9000004B  }
0xb6: {  	_ =	sfence  }
0xb7: {  	s30 =	sld [smem:$0x0];
	_ =	sdelay $0x2  }
0xb8: {  	s31 =	sshll.u32 s1, $0xD;
	s1 =	sshrl.u32 s1, $0x2  }
0xb9: {  	s3 =	sand.u32 $0x4000, s31;
	s1 =	sadd.s32 s1, s30  }
0xba: {  	s0 =	sor.u32 s3, s0;
	s1 =	sshll.u32 s1, $0x11  }
0xbb: {  	s0 =	sor.u32 s1, s0  }
0xbc: {  	s0 =	sadd.s32 $0x8F2B, s0  }
0xbd: {  	[sflag:s0] =	ssyncadd.remote.s32 $0x1  }
0xbe: {  	_ =	sfence.sel $0xFFFF  }
0xbf: {  	[dreg:$0x0] =	wrdreg $0xFFFFFFFF;
	(pc) =	sbr.abs _section_cstart, $3  }
0xc0: {  	[dreg:$0x1] =	wrdreg $0xFFFFFFFF  }
0xc1: {  	_ =	task.clear_ibuf [dreg:s6], $0x2FFFF;
	_ =	strace $0x9FFFFFFF  }
0xc2: {  	(tm) =	ssettm $0x7FFFFFFF  }
0xc3: {  	_ =	shalt  }
tec
execute0_lowered:
.L_overlay_start_1:
0x0: {  	(tag) =	ssettag $0x1  }
0x1: {  	s0 =	rddreg [dreg:$0x0]  }
0x2: {  	s1 =	srdreg.scid;
	s10 =	stileid.u32  }
0x3: {  	s2 =	rddreg [dreg:$0x1];
	s3 =	simm.s32 $0x0;
	s5 =	smul.u32 $0x50000, s10  }
0x4: {  	s1 =	sand.u32 $0x1, s1;
	s4 =	sshll.u32 s10, $0x1;
	s18 =	smul.u32 $0x4E000, s10  }
0x5: {  	[smem:$0x7FF] =	sst s3;
	s23 =	smul.u32 $0x2700, s10;
	p0 =	seq.s32 s10, $0xF  }
0x6: {  	s10 =	simm.s32 $0x7700;
	s4 =	sor.u32 s1, s4;
	s6 =	ssub.s32 $0x2, s1  }
0x7: {  	s21 =	smul.u32 $0x27100, s1;
	s8 =	sshrl.u32 s6, $0x1;
	s5 =	sshrl.u32 s5, $0x2  }
0x8: {  	s1 =	smul.u32 $0x138800, s1;
	s8 =	ssub.s32 s6, s8;
	s6 =	sadd.s32 s5, s2  }
0x9: {  	_ =	strace $0x8000004A;
	s4 =	smul.u32 $0x4E2, s4;
	s14 =	sadd.s32 $0x1000, s6  }
0xa: {  	s5 =	sshrl.u32 s18, $0x2;
	s15 =	sadd.s32 $0x2000, s6;
	[dreg:$0x5] =	wrdreg s14  }
0xb: {  	s1 =	sshrl.u32 s1, $0x3;
	s16 =	sadd.s32 $0x3000, s6;
	[dreg:$0x6] =	wrdreg s15  }
0xc: {  	s7 =	sadd.s32 s4, s0;
	s17 =	sadd.s32 $0x4000, s6;
	[dreg:$0x7] =	wrdreg s16  }
0xd: {  	s4 =	sadd.s32 $0x16200, s0;
	s19 =	sadd.s32 $0x5000, s6;
	[dreg:$0x8] =	wrdreg s17  }
0xe: {  	s0 =	sadd.s32 $0x3D400, s0;
	s20 =	sadd.s32 $0x6000, s6;
	[dreg:$0x9] =	wrdreg s19  }
0xf: {  	s9 =	sadd.s32 $0x7000, s6;
	s22 =	sadd.s32 $0x8000, s6;
	[dreg:$0xa] =	wrdreg s20  }
0x10: {  	s11 =	sadd.s32 $0x9000, s6;
	s24 =	sadd.s32 $0xA000, s6;
	[dreg:$0xb] =	wrdreg s9  }
0x11: {  	s25 =	sadd.s32 $0xB000, s6;
	s26 =	sadd.s32 $0xC000, s6;
	[dreg:$0xc] =	wrdreg s22  }
0x12: {  	s5 =	sadd.s32 s5, s2;
	s28 =	sadd.s32 $0xF000, s6;
	[dreg:$0xd] =	wrdreg s11  }
0x13: {  	s29 =	sadd.s32 $0x10000, s6;
	s30 =	sadd.s32 $0x11000, s6;
	[dreg:$0xe] =	wrdreg s24  }
0x14: {  	s31 =	sadd.s32 $0x12000, s6;
	s12 =	sadd.s32 $0xC400, s7;
	[dreg:$0xf] =	wrdreg s25  }
0x15: {  	s13 =	sadd.s32 $0x2600, s7;
	[dreg:$0x10] =	wrdreg s26;
	s7 =	sadd.s32 s23, s21  }
0x16: {  	s20 =	sadd.s32 $0xD000, s6;
	s23 =	smax.u32 s8, $0x1;
	s25 =	sshrl.u32 @!p0 s5, $0x3  }
0x17: {  	s26 =	sadd.s32 $0xE000, s6;
	s5 =	simm.s32 $0x4;
	s8 =	simm.s32 $0x50  }
0x18: {  	s9 =	simm.s32 $0x4F00;
	s11 =	simm.s32 $0x1;
	[dreg:$0x3] =	wrdreg s12  }
0x19: {  	s14 =	simm.s32 $0x0;
	[dreg:$0x4] =	wrdreg s13;
	s21 =	sadd.s32 s0, s7  }
0x1a: {  	s0 =	sadd.s32 s0, s1;
	s1 =	sadd.s32 $0x124800, s2;
	s7 =	simm.s32 $0x3  }
0x1b: {  	s12 =	simm.s32 $0x5;
	s13 =	simm.s32 $0x2;
	s22 =	sadd.s32 $0x24900, s0  }
0x1c: {  	v0 =	vimm.f32 $0.0e+00;
	s24 =	sshrl.u32 @p0 s1, $0x3;
	s1 =	sadd.s32 $0x13000, s6;
	s0 =	simm.s32 $0x9F00  }
.LBB2_1:
0x1d: {  	s15 =	rddreg [dreg:$0x3];
	s18 =	simm.s32 $0x0  }
0x1e: {  	[tilespmem:s3], [sflag:$0x3] =	stream.linear.gather [hbm4b:s15+s3], $0x2710, $0x38;
	[tilespmem:$0x1EF00] =	vst v63  }
0x1f: {  	s17 =	rddreg [dreg:$0x4];
	s16 =	simm.s32 $0x2780;
	s19 =	sand.u32 $0xFFFFFF80, s18  }
0x20: {  	[tilespmem:s16], [sflag:$0x3] =	stream.linear.gather [hbm4b:s17+s3], $0x2710, $0x38;
	[tilespmem:$0x1EF00] =	vst v63  }
0x21: {  	s16 =	ssub.s32 $0x0, s19  }
0x22: {  	s15 =	sand.u32 $0x3FFFFF80, s18;
	s16 =	sand.u32 $0xFFFFFF80, s16  }
0x23: {  	s17 =	sand.u32 $0x70, s3;
	s16 =	sadd.s32 s16, s15  }
0x24: {  	s15 =	simm.s32 $0x1;
	s17 =	sor.u32 s17, s16;
	s16 =	simm.s32 $0x0  }
.LBB2_2:
0x25: {  	s18 =	sshll.u32 s15, $0x4;
	p1 =	sne.s32 s15, $0xFF;
	s15 =	sadd.s32 $0x1, s15;
	[tilespmem:s17+$0x9F00] =	vst v0  }
.Ltmp0:
0x26: {  	s16 =	sadd.s32 $0x10, s16;
	s17 =	sand.u32 $0xFFFFFF80, s18;
	(pc) =	sbr.rel @p1 .LBB2_2-.Ltmp0, $4  }
0x27: {  	s17 =	ssub.s32 s16, s17  }
0x28: {  	s18 =	sand.u32 $0x3FFFFF80, s18;
	s17 =	sand.u32 $0xFFFFFF80, s17  }
0x29: {  	s19 =	sand.u32 $0x70, s16;
	s17 =	sadd.s32 s17, s18  }
0x2a: {  	s17 =	sor.u32 s19, s17  }
0x2b: {  	[tilespmem:s17+$0x9F00] =	vst v0  }
0x2c: {  	[spmem:s6] =	stream.linear.scatter [tilespmem:s0], [sflag:$0x4], $0x1000, $0x38;
	[tilespmem:$0x1EF00] =	vst v63  }
0x2d: {  	_ =	swait.ge [sflag:s5], $0x1000  }
0x2e: {  	[sflag:s5] =	ssyncset.done $0x0  }
0x2f: {  	s15 =	rddreg [dreg:$0x5];
	[sflag:s5] =	ssyncadd.s32 $0xFFFFF000  }
0x30: {  	[spmem:s15] =	stream.linear.scatter [tilespmem:s0], [sflag:$0x4], $0x1000, $0x38;
	[tilespmem:$0x1EF00] =	vst v63  }
0x31: {  	_ =	swait.ge [sflag:s5], $0x1000  }
0x32: {  	[sflag:s5] =	ssyncset.done $0x0  }
0x33: {  	s16 =	rddreg [dreg:$0x6];
	[sflag:s5] =	ssyncadd.s32 $0xFFFFF000  }
0x34: {  	[spmem:s16] =	stream.linear.scatter [tilespmem:s0], [sflag:$0x4], $0x1000, $0x38;
	[tilespmem:$0x1EF00] =	vst v63  }
0x35: {  	_ =	swait.ge [sflag:s5], $0x1000  }
0x36: {  	[sflag:s5] =	ssyncset.done $0x0  }
0x37: {  	s17 =	rddreg [dreg:$0x7];
	[sflag:s5] =	ssyncadd.s32 $0xFFFFF000  }
0x38: {  	[spmem:s17] =	stream.linear.scatter [tilespmem:s0], [sflag:$0x4], $0x1000, $0x38;
	[tilespmem:$0x1EF00] =	vst v63  }
0x39: {  	_ =	swait.ge [sflag:s5], $0x1000  }
0x3a: {  	[sflag:s5] =	ssyncset.done $0x0  }
0x3b: {  	s18 =	rddreg [dreg:$0x8];
	[sflag:s5] =	ssyncadd.s32 $0xFFFFF000  }
0x3c: {  	[spmem:s18] =	stream.linear.scatter [tilespmem:s0], [sflag:$0x4], $0x1000, $0x38;
	[tilespmem:$0x1EF00] =	vst v63  }
0x3d: {  	_ =	swait.ge [sflag:s5], $0x1000  }
0x3e: {  	[sflag:s5] =	ssyncset.done $0x0  }
0x3f: {  	s19 =	rddreg [dreg:$0x9];
	[sflag:s5] =	ssyncadd.s32 $0xFFFFF000  }
0x40: {  	[spmem:s19] =	stream.linear.scatter [tilespmem:s0], [sflag:$0x4], $0x1000, $0x38;
	[tilespmem:$0x1EF00] =	vst v63  }
0x41: {  	_ =	swait.ge [sflag:s5], $0x1000  }
0x42: {  	[sflag:s5] =	ssyncset.done $0x0  }
0x43: {  	s16 =	rddreg [dreg:$0xa];
	[sflag:s5] =	ssyncadd.s32 $0xFFFFF000  }
0x44: {  	[spmem:s16] =	stream.linear.scatter [tilespmem:s0], [sflag:$0x4], $0x1000, $0x38;
	[tilespmem:$0x1EF00] =	vst v63  }
0x45: {  	_ =	swait.ge [sflag:s5], $0x1000  }
0x46: {  	[sflag:s5] =	ssyncset.done $0x0  }
0x47: {  	s17 =	rddreg [dreg:$0xb];
	[sflag:s5] =	ssyncadd.s32 $0xFFFFF000  }
0x48: {  	[spmem:s17] =	stream.linear.scatter [tilespmem:s0], [sflag:$0x4], $0x1000, $0x38;
	[tilespmem:$0x1EF00] =	vst v63  }
0x49: {  	_ =	swait.ge [sflag:s5], $0x1000  }
0x4a: {  	[sflag:s5] =	ssyncset.done $0x0  }
0x4b: {  	s18 =	rddreg [dreg:$0xc];
	[sflag:s5] =	ssyncadd.s32 $0xFFFFF000  }
0x4c: {  	[spmem:s18] =	stream.linear.scatter [tilespmem:s0], [sflag:$0x4], $0x1000, $0x38;
	[tilespmem:$0x1EF00] =	vst v63  }
0x4d: {  	_ =	swait.ge [sflag:s5], $0x1000  }
0x4e: {  	[sflag:s5] =	ssyncset.done $0x0  }
0x4f: {  	s19 =	rddreg [dreg:$0xd];
	[sflag:s5] =	ssyncadd.s32 $0xFFFFF000  }
0x50: {  	[spmem:s19] =	stream.linear.scatter [tilespmem:s0], [sflag:$0x4], $0x1000, $0x38;
	[tilespmem:$0x1EF00] =	vst v63  }
0x51: {  	_ =	swait.ge [sflag:s5], $0x1000  }
0x52: {  	[sflag:s5] =	ssyncset.done $0x0  }
0x53: {  	s16 =	rddreg [dreg:$0xe];
	[sflag:s5] =	ssyncadd.s32 $0xFFFFF000  }
0x54: {  	[spmem:s16] =	stream.linear.scatter [tilespmem:s0], [sflag:$0x4], $0x1000, $0x38;
	[tilespmem:$0x1EF00] =	vst v63  }
0x55: {  	_ =	swait.ge [sflag:s5], $0x1000  }
0x56: {  	[sflag:s5] =	ssyncset.done $0x0  }
0x57: {  	s17 =	rddreg [dreg:$0xf];
	[sflag:s5] =	ssyncadd.s32 $0xFFFFF000  }
0x58: {  	[spmem:s17] =	stream.linear.scatter [tilespmem:s0], [sflag:$0x4], $0x1000, $0x38;
	[tilespmem:$0x1EF00] =	vst v63  }
0x59: {  	_ =	swait.ge [sflag:s5], $0x1000  }
0x5a: {  	[sflag:s5] =	ssyncset.done $0x0  }
0x5b: {  	s18 =	rddreg [dreg:$0x10];
	[sflag:s5] =	ssyncadd.s32 $0xFFFFF000  }
0x5c: {  	[spmem:s18] =	stream.linear.scatter [tilespmem:s0], [sflag:$0x4], $0x1000, $0x38;
	[tilespmem:$0x1EF00] =	vst v63  }
0x5d: {  	_ =	swait.ge [sflag:s5], $0x1000  }
0x5e: {  	[sflag:s5] =	ssyncset.done $0x0  }
0x5f: {  	[sflag:s5] =	ssyncadd.s32 $0xFFFFF000  }
0x60: {  	[spmem:s20] =	stream.linear.scatter [tilespmem:s0], [sflag:$0x4], $0x1000, $0x38;
	[tilespmem:$0x1EF00] =	vst v63  }
0x61: {  	_ =	swait.ge [sflag:s5], $0x1000  }
0x62: {  	[sflag:s5] =	ssyncset.done $0x0  }
0x63: {  	[sflag:s5] =	ssyncadd.s32 $0xFFFFF000  }
0x64: {  	[spmem:s26] =	stream.linear.scatter [tilespmem:s0], [sflag:$0x4], $0x1000, $0x38;
	[tilespmem:$0x1EF00] =	vst v63  }
0x65: {  	_ =	swait.ge [sflag:s5], $0x1000  }
0x66: {  	[sflag:s5] =	ssyncset.done $0x0  }
0x67: {  	[sflag:s5] =	ssyncadd.s32 $0xFFFFF000  }
0x68: {  	[spmem:s28] =	stream.linear.scatter [tilespmem:s0], [sflag:$0x4], $0x1000, $0x38;
	[tilespmem:$0x1EF00] =	vst v63  }
0x69: {  	_ =	swait.ge [sflag:s5], $0x1000  }
0x6a: {  	[sflag:s5] =	ssyncset.done $0x0  }
0x6b: {  	[sflag:s5] =	ssyncadd.s32 $0xFFFFF000  }
0x6c: {  	[spmem:s29] =	stream.linear.scatter [tilespmem:s0], [sflag:$0x4], $0x1000, $0x38;
	[tilespmem:$0x1EF00] =	vst v63  }
0x6d: {  	_ =	swait.ge [sflag:s5], $0x1000  }
0x6e: {  	[sflag:s5] =	ssyncset.done $0x0  }
0x6f: {  	[sflag:s5] =	ssyncadd.s32 $0xFFFFF000  }
0x70: {  	[spmem:s30] =	stream.linear.scatter [tilespmem:s0], [sflag:$0x4], $0x1000, $0x38;
	[tilespmem:$0x1EF00] =	vst v63  }
0x71: {  	_ =	swait.ge [sflag:s5], $0x1000  }
0x72: {  	[sflag:s5] =	ssyncset.done $0x0  }
0x73: {  	[sflag:s5] =	ssyncadd.s32 $0xFFFFF000  }
0x74: {  	[spmem:s31] =	stream.linear.scatter [tilespmem:s0], [sflag:$0x4], $0x1000, $0x38;
	[tilespmem:$0x1EF00] =	vst v63  }
0x75: {  	_ =	swait.ge [sflag:s5], $0x1000  }
0x76: {  	[sflag:s5] =	ssyncset.done $0x0  }
0x77: {  	[sflag:s5] =	ssyncadd.s32 $0xFFFFF000  }
0x78: {  	[spmem:s1] =	stream.linear.scatter [tilespmem:s0], [sflag:$0x4], $0x1000, $0x38;
	[tilespmem:$0x1EF00] =	vst v63  }
0x79: {  	_ =	swait.ge [sflag:s5], $0x1000  }
0x7a: {  	[sflag:s5] =	ssyncset.done $0x0  }
0x7b: {  	[sflag:s5] =	ssyncadd.s32 $0xFFFFF000  }
0x7c: {  	_ =	swait.ge [sflag:s7], $0x2710  }
0x7d: {  	[sflag:s7] =	ssyncset.done $0x0  }
0x7e: {  	[sflag:s7] =	ssyncadd.s32 $0xFFFFD8F0  }
0x7f: {  	_ =	swait.ge [sflag:s7], $0x2710  }
0x80: {  	[sflag:s7] =	ssyncset.done $0x0  }
0x81: {  	[sflag:s7] =	ssyncadd.s32 $0xFFFFD8F0  }
0x82: {  	s19 =	simm.s32 $0x0;
	[bflag:$0x0] =	sbarrier.arrive $0xFFFF  }
0x83: {  	[tilespmem:s9], [sflag:$0x1] =	stream.indirect.gather [hbm4b:s4+s8], $0x80, s19, s8, $0xb8;
	[tilespmem:$0x1EF00] =	vst v63  }
0x84: {  	s16 =	simm.s32 $0x50  }
0x85: {  	[tilespmem:s10], [sflag:$0x2] =	stream.indirect.gather [hbm4b:s4+s8], $0x80, s16, s8, $0xb8;
	[tilespmem:$0x1EF00] =	vst v63  }
0x86: {  	_ =	swait.ge [sflag:s11], $0x2800  }
0x87: {  	[sflag:s11] =	ssyncset.done $0x0  }
0x88: {  	s17 =	simm.s32 $0x2780;
	[sflag:s11] =	ssyncadd.s32 $0xFFFFD800  }
0x89: {  	[spmem:s2] =	stream.indirect.scatter.add.f32 [tilespmem:s9], [sflag:$0x5], $0x80, s17, s8, $0xb8;
	[tilespmem:$0x1EF00] =	vst v63  }
0x8a: {  	_ =	swait.ge [sflag:s12], $0x2800  }
0x8b: {  	[sflag:s12] =	ssyncset.done $0x0  }
0x8c: {  	s18 =	simm.s32 $0xA0;
	[sflag:s12] =	ssyncadd.s32 $0xFFFFD800  }
0x8d: {  	[tilespmem:s9], [sflag:$0x1] =	stream.indirect.gather [hbm4b:s4+s8], $0x80, s18, s8, $0xb8;
	[tilespmem:$0x1EF00] =	vst v63  }
0x8e: {  	_ =	swait.ge [sflag:s13], $0x2800  }
0x8f: {  	[sflag:s13] =	ssyncset.done $0x0  }
0x90: {  	s19 =	simm.s32 $0x27D0;
	[sflag:s13] =	ssyncadd.s32 $0xFFFFD800  }
0x91: {  	[spmem:s2] =	stream.indirect.scatter.add.f32 [tilespmem:s10], [sflag:$0x4], $0x80, s19, s8, $0xb8;
	[tilespmem:$0x1EF00] =	vst v63  }
0x92: {  	_ =	swait.ge [sflag:s5], $0x2800  }
0x93: {  	s15 =	simm.s32 $0xA0;
	s16 =	simm.s32 $0x500;
	[sflag:s5] =	ssyncset.done $0x0  }
.LBB2_4:
0x94: {  	s17 =	sadd.s32 $0x50, s15  }
0x95: {  	[sflag:s5] =	ssyncadd.s32 $0xFFFFD800;
	s18 =	smov.u32 s16;
	s19 =	sadd.s32 $0x280, s16  }
0x96: {  	[tilespmem:s10], [sflag:$0x2] =	stream.indirect.gather [hbm4b:s4+s8], $0x80, s17, s8, $0xb8;
	[tilespmem:$0x1EF00] =	vst v63  }
0x97: {  	p1 =	sne.s32 s16, $0x9880;
	_ =	swait.ge [sflag:s11], $0x2800  }
0x98: {  	[sflag:s11] =	ssyncset.done $0x0  }
0x99: {  	s16 =	sadd.s32 $0x2780, s15;
	[sflag:s11] =	ssyncadd.s32 $0xFFFFD800  }
0x9a: {  	[spmem:s2] =	stream.indirect.scatter.add.f32 [tilespmem:s9], [sflag:$0x5], $0x80, s16, s8, $0xb8;
	[tilespmem:$0x1EF00] =	vst v63  }
0x9b: {  	_ =	swait.ge [sflag:s12], $0x2800  }
0x9c: {  	[sflag:s12] =	ssyncset.done $0x0  }
0x9d: {  	s16 =	sadd.s32 $0xA0, s15;
	[sflag:s12] =	ssyncadd.s32 $0xFFFFD800  }
0x9e: {  	[tilespmem:s9], [sflag:$0x1] =	stream.indirect.gather [hbm4b:s4+s8], $0x80, s16, s8, $0xb8;
	[tilespmem:$0x1EF00] =	vst v63  }
0x9f: {  	_ =	swait.ge [sflag:s13], $0x2800  }
.Ltmp1:
0xa0: {  	[sflag:s13] =	ssyncset.done $0x0;
	(pc) =	sbr.rel @p1 .LBB2_4-.Ltmp1, $4  }
0xa1: {  	s15 =	sadd.s32 $0x27D0, s15;
	[sflag:s13] =	ssyncadd.s32 $0xFFFFD800  }
0xa2: {  	[spmem:s2] =	stream.indirect.scatter.add.f32 [tilespmem:s10], [sflag:$0x4], $0x80, s15, s8, $0xb8;
	[tilespmem:$0x1EF00] =	vst v63  }
0xa3: {  	_ =	swait.ge [sflag:s5], $0x2800  }
0xa4: {  	s16 =	smov.u32 s19;
	s15 =	sshra.s32 s18, $0x2;
	[sflag:s5] =	ssyncset.done $0x0  }
0xa5: {  	s16 =	sadd.s32 $0x50, s15;
	[sflag:s5] =	ssyncadd.s32 $0xFFFFD800  }
0xa6: {  	[tilespmem:s10], [sflag:$0x2] =	stream.indirect.gather [hbm4b:s4+s8], $0x80, s16, s8, $0xb8;
	[tilespmem:$0x1EF00] =	vst v63  }
0xa7: {  	_ =	swait.ge [sflag:s11], $0x2800  }
0xa8: {  	[sflag:s11] =	ssyncset.done $0x0  }
0xa9: {  	s19 =	sadd.s32 $0x2780, s15;
	[sflag:s11] =	ssyncadd.s32 $0xFFFFD800  }
0xaa: {  	[spmem:s2] =	stream.indirect.scatter.add.f32 [tilespmem:s9], [sflag:$0x5], $0x80, s19, s8, $0xb8;
	[tilespmem:$0x1EF00] =	vst v63  }
0xab: {  	_ =	swait.ge [sflag:s12], $0x2800  }
0xac: {  	[sflag:s12] =	ssyncset.done $0x0  }
0xad: {  	s17 =	sadd.s32 $0xA0, s15;
	[sflag:s12] =	ssyncadd.s32 $0xFFFFD800  }
0xae: {  	[tilespmem:s9], [sflag:$0x1] =	stream.indirect.gather [hbm4b:s4+s8], $0x80, s17, s8, $0xb8;
	[tilespmem:$0x1EF00] =	vst v63  }
0xaf: {  	_ =	swait.ge [sflag:s13], $0x2800  }
0xb0: {  	[sflag:s13] =	ssyncset.done $0x0  }
0xb1: {  	s18 =	sadd.s32 $0x27D0, s15;
	[sflag:s13] =	ssyncadd.s32 $0xFFFFD800  }
0xb2: {  	[spmem:s2] =	stream.indirect.scatter.add.f32 [tilespmem:s10], [sflag:$0x4], $0x80, s18, s8, $0xb8;
	[tilespmem:$0x1EF00] =	vst v63  }
0xb3: {  	_ =	swait.ge [sflag:s5], $0x2800  }
0xb4: {  	[sflag:s5] =	ssyncset.done $0x0  }
0xb5: {  	[sflag:s5] =	ssyncadd.s32 $0xFFFFD800  }
0xb6: {  	_ =	swait.ge [sflag:s11], $0x2800  }
0xb7: {  	[sflag:s11] =	ssyncset.done $0x0  }
0xb8: {  	s19 =	simm.s32 $0x4E40;
	[sflag:s11] =	ssyncadd.s32 $0xFFFFD800  }
0xb9: {  	[spmem:s2] =	stream.indirect.scatter.add.f32 [tilespmem:s9], [sflag:$0x5], $0x80, s19, s8, $0xb8;
	[tilespmem:$0x1EF00] =	vst v63  }
0xba: {  	_ =	swait.ge [sflag:s12], $0x2800  }
0xbb: {  	[sflag:s12] =	ssyncset.done $0x0  }
0xbc: {  	[sflag:s12] =	ssyncadd.s32 $0xFFFFD800  }
0xbd: {  	s15 =	simm.s32 @p0 $0x1FC4;
	[bflag:$0x0] =	sbarrier.arrive $0xFFFF  }
0xbe: {  	[hbm:s22], [sflag:s15] =	dma.local @p0 [spmem:s24], $0x2800  }
0xbf: {  	s15 =	simm.s32 @p0 $0x4  }
0xc0: {  	s16 =	stileid.u32;
	_ =	swait.ge @p0 [sflag:s15], $0x2800  }
0xc1: {  	s14 =	sadd.s32 $0x1, s14;
	s16 =	sshll.u32 @!p0 s16, $0x6;
	[sflag:s15] =	ssyncset.done @p0 $0x0  }
0xc2: {  	p1 =	sne.s32 s14, s23;
	[sflag:s15] =	ssyncadd.s32 @p0 $0xFFFFD800;
	s15 =	sor.u32 @!p0 $0x1C04, s16  }
0xc3: {  	[hbm:s21], [sflag:s15] =	dma.local @!p0 [spmem:s25], $0x2700  }
.Ltmp2:
0xc4: {  	_ = 	snop;
	(pc) =	sbr.rel @p1 .LBB2_1-.Ltmp2, $4  }
0xc5: {  	s15 =	simm.s32 @!p0 $0x4  }
0xc6: {  	_ =	swait.ge @!p0 [sflag:s15], $0x2700  }
0xc7: {  	[sflag:s15] =	ssyncset.done @!p0 $0x0  }
0xc8: {  	[sflag:s15] =	ssyncadd.s32 @!p0 $0xFFFFD900  }
0xc9: {  	_ =	sfence.sel $0x180000  }
0xca: {  	[bflag:$0x0] =	sbarrier.arrive $0xFFFF  }
0xcb: {  	_ =	strace $0x9000004A  }
0xcc: {  	s0 =	stileid.u32;
	[bflag:$0x2] =	sbarrier.arrive $0xFFFF  }
0xcd: {  	p0 =	sne.s32 s0, $0x0;
	s0 =	rddreg [dreg:$0x2]  }
0xce: {  	s0 =	sadd.s32 @!p0 $0x100000, s0  }
0xcf: {  	[sflag:s0] =	ssyncadd.tile.s32 @!p0 $0x1;
	_ =	shalt  }
.Lfunc_end2:
_tile_overlayer_lowered:
.L_overlay_start_2:
0xd0: {  	(tag) =	ssettag $0x2  }
0xd1: {  	s0 =	rddreg [dreg:$0x0];
	s2 =	stileid.u32  }
0xd2: {  	s1 =	rddreg [dreg:$0x1];
	p0 =	sne.s32 s2, $0x0  }
0xd3: {  	s3 =	rddreg [dreg:$0x2];
	[bflag:$0x3] =	sbarrier.arrive $0xFFFF;
	s2 =	simm.s32 @!p0 $0x1C04  }
0xd4: {  	[timem:s3], [sflag:s2] =	dma.local @!p0 [hbm:s0], s1  }
0xd5: {  	s0 =	simm.s32 @!p0 $0x4  }
0xd6: {  	_ =	swait.ge @!p0 [sflag:s0], s1  }
0xd7: {  	s1 =	ssub.s32 @!p0 $0x0, s1;
	[sflag:s0] =	ssyncset.done @!p0 $0x0  }
0xd8: {  	[sflag:s0] =	ssyncadd.s32 @!p0 s1  }
0xd9: {  	[bflag:$0x3] =	sbarrier.arrive $0xFFFF  }
0xda: {  	_ =	shalt  }

// kernel: kernel.7.cloned.1.call-start
scs
__scs_entry_jumppad:
0x0: {  	(pc) =	sbr.rel $0x88, $3  }
0x1: {  	(tag) =	ssettag $0x0;
	lr =	simm.s32 $0x1  }
0x2: {  	[smem:$0x3F96] =	sst lr;
	_ =	strace $0xD0000000  }
0x3: {  	_ = 	snop  }
0x4: {  	_ = 	snop  }
0x5: {  	_ = 	snop  }
0x6: {  	_ = 	snop  }
0x7: {  	_ = 	snop  }
__scs_overlays_trampoline_lowered:
0x8: {  	[smem:$0x3FA5] =	sst s0  }
0x9: {  	[smem:$0x3FA6] =	sst s1  }
0xa: {  	[smem:$0x3FA7] =	sst s2  }
0xb: {  	[smem:$0x3FA8] =	sst s3  }
0xc: {  	[smem:$0x3FA9] =	sst s4  }
0xd: {  	[smem:$0x3FAA] =	sst s5  }
0xe: {  	[smem:$0x3FAB] =	sst s6  }
0xf: {  	[smem:$0x3FAC] =	sst s7  }
0x10: {  	[smem:$0x3FAD] =	sst s8  }
0x11: {  	[smem:$0x3FAE] =	sst s9;
	s0 =	simm.s32 @!p0 $0x0  }
0x12: {  	s1 =	sld [smem:$0x3F94];
	s0 =	simm.s32 @p0 $0x1  }
0x13: {  	[smem:$0x3FAF] =	sst s0;
	s0 =	simm.s32 @!p1 $0x0  }
0x14: {  	s2 =	sld [smem:$0x3F93];
	s0 =	simm.s32 @p1 $0x1  }
0x15: {  	[smem:$0x3FB0] =	sst s0;
	s0 =	simm.s32 @!p2 $0x0  }
0x16: {  	s3 =	sld [smem:$0x3FDB];
	s0 =	simm.s32 @p2 $0x1  }
0x17: {  	s4 =	simm.s32 $0x1BF5;
	[smem:$0x3FB2] =	sst s0  }
0x18: {  	s0 =	sld [smem:$0x3F95];
	_ =	swait.ge [sflag:s4], $0x0  }
0x19: {  	s7 =	sld [smem:$0x3F96]  }
0x1a: {  	s8 =	sadd.s32 $0xFFFFE003, lr  }
0x1b: {  	s9 =	sadd.s32 $0xFFFFFEF7, lr;
	s5 =	simm.s32 $0xFFFFFFFF;
	p2 =	slt.u32 s8, $0xFFFFF086  }
0x1c: {  	p1 =	slt.u32 s9, $0xF7A;
	s5 =	simm.s32 @!p2 $0x0  }
0x1d: {  	s5 =	simm.s32 @p1 $0x1;
	p0 =	seq.s32 s7, s2  }
0x1e: {  	s7 =	smul.u32 @!p0 $0xF7A, s2;
	p2 =	seq.s32 @!p0 s5, $0x0  }
0x1f: {  	s9 =	smul.u32 $0xF7A, s1;
	s8 =	simm.s32 @!p0 $0x1BF5;
	p2 =	por !p2, p0  }
0x20: {  	[sflag:s8] =	ssyncset.s32 @!p0 $0xFFFFF086;
	s6 =	sadd.s32 @!p0 s3, s7;
	s7 =	simm.s32 @!p0 $0x108  }
0x21: {  	s3 =	sadd.s32 s3, s9;
	s6 =	sadd.s32 @!p0 $0x88, s6;
	s7 =	simm.s32 @p2 $0x1082  }
0x22: {  	[simem:s7], [sflag:s8] =	dma.local @!p0 [hbm:s6], $0xF7A  }
0x23: {  	s9 =	sor.u32 $0xD0000000, s2;
	s6 =	simm.s32 $0x108;
	_ =	swait.ge @!p0 [sflag:s8], $0x0  }
0x24: {  	s3 =	sadd.s32 $0x88, s3;
	s6 =	simm.s32 @!p1 $0x1082;
	[sflag:s4] =	ssyncset.s32 $0xFFFFF086  }
0x25: {  	[simem:s6], [sflag:s4] =	dma.local [hbm:s3], $0xF7A  }
0x26: {  	[smem:$0x3F96] =	sst s1;
	(tag) =	ssettag s2;
	_ =	strace s9  }
0x27: {  	s1 =	sld [smem:$0x3FA6]  }
0x28: {  	s2 =	sld [smem:$0x3FA7]  }
0x29: {  	s4 =	sld [smem:$0x3FA9]  }
0x2a: {  	p0 =	seq.s32 s5, $0x0;
	s5 =	sld [smem:$0x3FAA]  }
0x2b: {  	s6 =	sld [smem:$0x3FAB]  }
0x2c: {  	s7 =	sld [smem:$0x3FAC]  }
0x2d: {  	s3 =	simm.s32 $0x108;
	s8 =	sld [smem:$0x3FAD]  }
0x2e: {  	s3 =	simm.s32 @!p0 $0x1082;
	s9 =	sld [smem:$0x3FAE]  }
0x2f: {  	lr =	sadd.s32 s0, s3;
	s0 =	sld [smem:$0x3FA5]  }
0x30: {  	s3 =	sld [smem:$0x3FA8]  }
0x31: {  	[smem:$0x3FB1] =	sst s10  }
0x32: {  	s10 =	sld [smem:$0x3FAF];
	_ =	sdelay $0x3  }
0x33: {  	p0 =	seq.s32 s10, $0x1;
	s10 =	sld [smem:$0x3FB1];
	_ =	sdelay $0x3  }
0x34: {  	[smem:$0x3FB1] =	sst s10  }
0x35: {  	s10 =	sld [smem:$0x3FB0];
	_ =	sdelay $0x3  }
0x36: {  	p1 =	seq.s32 s10, $0x1;
	s10 =	sld [smem:$0x3FB1];
	_ =	sdelay $0x3  }
0x37: {  	[smem:$0x3FB1] =	sst s10  }
0x38: {  	s10 =	sld [smem:$0x3FB2]  }
0x39: {  	_ = 	snop;
	(pc) =	sbr.ind lr, $3  }
0x3a: {  	_ = 	snop  }
0x3b: {  	_ = 	snop  }
0x3c: {  	p2 =	seq.s32 s10, $0x1;
	s10 =	sld [smem:$0x3FB1]  }
0x3d: {  	_ =	shalt  }
0x3e: {  	_ =	shalt  }
0x3f: {  	_ =	shalt  }
0x40: {  	_ =	shalt  }
0x41: {  	_ =	shalt  }
0x42: {  	_ =	shalt  }
0x43: {  	_ =	shalt  }
0x44: {  	_ =	shalt  }
0x45: {  	_ =	shalt  }
0x46: {  	_ =	shalt  }
0x47: {  	_ =	shalt  }
0x48: {  	_ =	shalt  }
0x49: {  	_ =	shalt  }
0x4a: {  	_ =	shalt  }
0x4b: {  	_ =	shalt  }
0x4c: {  	_ =	shalt  }
0x4d: {  	_ =	shalt  }
0x4e: {  	_ =	shalt  }
0x4f: {  	_ =	shalt  }
0x50: {  	_ =	shalt  }
0x51: {  	_ =	shalt  }
0x52: {  	_ =	shalt  }
0x53: {  	_ =	shalt  }
0x54: {  	_ =	shalt  }
0x55: {  	_ =	shalt  }
0x56: {  	_ =	shalt  }
0x57: {  	_ =	shalt  }
0x58: {  	_ =	shalt  }
0x59: {  	_ =	shalt  }
0x5a: {  	_ =	shalt  }
0x5b: {  	_ =	shalt  }
0x5c: {  	_ =	shalt  }
0x5d: {  	_ =	shalt  }
0x5e: {  	_ =	shalt  }
0x5f: {  	_ =	shalt  }
0x60: {  	_ =	shalt  }
0x61: {  	_ =	shalt  }
0x62: {  	_ =	shalt  }
0x63: {  	_ =	shalt  }
0x64: {  	_ =	shalt  }
0x65: {  	_ =	shalt  }
0x66: {  	_ =	shalt  }
0x67: {  	_ =	shalt  }
0x68: {  	_ =	shalt  }
0x69: {  	_ =	shalt  }
0x6a: {  	_ =	shalt  }
0x6b: {  	_ =	shalt  }
0x6c: {  	_ =	shalt  }
0x6d: {  	_ =	shalt  }
0x6e: {  	_ =	shalt  }
0x6f: {  	_ =	shalt  }
0x70: {  	_ =	shalt  }
0x71: {  	_ =	shalt  }
0x72: {  	_ =	shalt  }
0x73: {  	_ =	shalt  }
0x74: {  	_ =	shalt  }
0x75: {  	_ =	shalt  }
0x76: {  	_ =	shalt  }
0x77: {  	_ =	shalt  }
0x78: {  	_ =	shalt  }
0x79: {  	_ =	shalt  }
0x7a: {  	_ =	shalt  }
0x7b: {  	_ =	shalt  }
0x7c: {  	_ =	shalt  }
0x7d: {  	_ =	shalt  }
0x7e: {  	_ =	shalt  }
0x7f: {  	_ =	shalt  }
0x80: {  	_ =	shalt  }
0x81: {  	_ =	shalt  }
0x82: {  	_ =	shalt  }
0x83: {  	_ =	shalt  }
0x84: {  	_ =	shalt  }
0x85: {  	_ =	shalt  }
0x86: {  	_ =	shalt  }
0x87: {  	_ =	shalt  }
.Lfunc_end0:
.L_simem_size_0:
called_computation_lowered:
.L_overlay_start_0:
0x88: {  	s2 =	sld [smem:$0x3FD9]  }
0x89: {  	s3 =	sld [smem:$0x3FFE];
	_ =	sdelay $0x1  }
0x8a: {  	s1 =	srdreg.scid  }
0x8b: {  	s0 =	sand.u32 $0x1, s1  }
0x8c: {  	s16 =	sshll.u32 s0, $0xA;
	s2 =	sadd.s32 s3, s2  }
0x8d: {  	s2 =	sadd.s32 s2, s16  }
0x8e: {  	[smem:$0x3FBD] =	sst s2  }
0x8f: {  	_ = 	snop  }
0x90: {  	(tm) =	ssettm $0x1  }
0x91: {  	s17 =	sld [smem:$0x3FFB];
	_ =	sdelay $0x3  }
0x92: {  	_ =	strace s17  }
0x93: {  	s2 =	sld [smem:$0x3FFC];
	_ =	sdelay $0x3  }
0x94: {  	_ =	strace s2  }
0x95: {  	s2 =	sld [smem:$0x3FFD];
	_ =	sdelay $0x3  }
0x96: {  	_ =	strace s2  }
0x97: {  	_ =	strace $0x8FFFFFFF  }
0x98: {  	s18 =	sld [smem:$0x3FDB];
	_ =	sdelay $0x1  }
0x99: {  	s19 =	simm.s32 $_scs_section_size  }
0x9a: {  	s4 =	simm.s32 $_size__tile_overlayer_lowered;
	s5 =	simm.s32 $_tile_overlayer_lowered  }
0x9b: {  	s22 =	simm.s32 $0x1BFF;
	s21 =	sshll.u32 s5, $0x1;
	s2 =	sadd.s32 s19, s18  }
0x9c: {  	s6 =	simm.s32 $0x0;
	s20 =	sshll.u32 s4, $0x1;
	s4 =	sadd.s32 s21, s2  }
0x9d: {  	[timem:s6], [sflag:s22] =	dma.local [hbm:s4], s20  }
0x9e: {  	_ =	swait.ge [sflag:s22], s20  }
0x9f: {  	s3 =	ssub.s32 $0x0, s20;
	[sflag:s22] =	ssyncset.done $0x0  }
0xa0: {  	[sflag:s22] =	ssyncadd.s32 s3;
	_ =	sdelay $0x1  }
0xa1: {  	s23 =	simm.s32 $0x1B8B  }
0xa2: {  	_ =	swait.ge [sflag:s23], $0x1  }
0xa3: {  	[sflag:s23] =	ssyncset.done $0x0  }
0xa4: {  	s25 =	simm.s32 $0x1B8E;
	s24 =	sld [smem:$0x3FFE];
	[sflag:s23] =	ssyncadd.s32 $0xFFFFFFFF  }
0xa5: {  	s26 =	simm.s32 $execute0_lowered;
	[smem:$0x3FD2] =	sst s25  }
0xa6: {  	s4 =	sshll.u32 s26, $0x1;
	_ =	strace $0x80000046;
	[dreg:$0x1] =	wrdreg $0xFFFFFFFF  }
0xa7: {  	s28 =	simm.s32 $_size_execute0_lowered;
	s2 =	sadd.s32 s2, s4;
	[dreg:$0x0] =	wrdreg $0x0  }
0xa8: {  	s4 =	sshll.u32 s28, $0x1;
	[dreg:$0x2] =	wrdreg s2  }
0xa9: {  	[dreg:$0x3] =	wrdreg s4  }
0xaa: {  	[dreg:$0x4] =	wrdreg $0xC0  }
0xab: {  	_ =	task [dreg:s6], $0x5FFFF  }
0xac: {  	[dreg:$0x1] =	wrdreg $0xFFFFFFFF  }
0xad: {  	[dreg:$0x0] =	wrdreg $0x60  }
0xae: {  	[dreg:$0x2] =	wrdreg s24  }
0xaf: {  	[dreg:$0x3] =	wrdreg $0x2A800  }
0xb0: {  	[dreg:$0x4] =	wrdreg $0x9  }
0xb1: {  	_ =	task.clear_ibuf [dreg:s6], $0x5FFFF;
	_ =	strace $0x90000046  }
0xb2: {  	s29 =	simm.s32 $0x9;
	_ =	strace $0x80000048  }
0xb3: {  	_ =	swait.ge [sflag:s29], $0x1  }
0xb4: {  	[sflag:s29] =	ssyncadd.s32 $0xFFFFFFFF  }
0xb5: {  	_ =	strace $0x90000048  }
0xb6: {  	_ =	sfence  }
0xb7: {  	s30 =	sld [smem:$0x0];
	_ =	sdelay $0x2  }
0xb8: {  	s31 =	sshll.u32 s1, $0xD;
	s1 =	sshrl.u32 s1, $0x2  }
0xb9: {  	s3 =	sand.u32 $0x4000, s31;
	s1 =	sadd.s32 s1, s30  }
0xba: {  	s0 =	sor.u32 s3, s0;
	s1 =	sshll.u32 s1, $0x11  }
0xbb: {  	s0 =	sor.u32 s1, s0  }
0xbc: {  	s0 =	sadd.s32 $0x8F2B, s0  }
0xbd: {  	[sflag:s0] =	ssyncadd.remote.s32 $0x1  }
0xbe: {  	_ =	sfence.sel $0xFFFF  }
0xbf: {  	[dreg:$0x0] =	wrdreg $0xFFFFFFFF;
	(pc) =	sbr.abs _section_cstart, $3  }
0xc0: {  	[dreg:$0x1] =	wrdreg $0xFFFFFFFF  }
0xc1: {  	_ =	task.clear_ibuf [dreg:s6], $0x2FFFF;
	_ =	strace $0x9FFFFFFF  }
0xc2: {  	(tm) =	ssettm $0x7FFFFFFF  }
0xc3: {  	_ =	shalt  }
tec
execute0_lowered:
.L_overlay_start_1:
0x0: {  	(tag) =	ssettag $0x1  }
0x1: {  	s4 =	rddreg [dreg:$0x0]  }
0x2: {  	s2 =	rddreg [dreg:$0x1];
	s3 =	srdreg.scid  }
0x3: {  	s1 =	stileid.u32;
	s0 =	rddreg [dreg:$0x2];
	s10 =	simm.s32 $0x1  }
0x4: {  	s11 =	simm.s32 $0x80;
	s12 =	simm.s32 $0x2780;
	s13 =	simm.s32 $0x10  }
0x5: {  	s14 =	simm.s32 $0x2700;
	s17 =	simm.s32 $0x0;
	s5 =	sand.u32 $0x1, s3  }
0x6: {  	s6 =	smul.u32 $0x280, s1;
	s3 =	simm.s32 $0x0;
	s7 =	sshll.u32 s1, $0x1  }
0x7: {  	s15 =	sshll.u32 s1, $0x6;
	s8 =	smul.u32 $0x2800, s5;
	[smem:$0x7FF] =	sst s3  }
0x8: {  	s7 =	sor.u32 s5, s7;
	s5 =	ssub.s32 $0x2, s5;
	s15 =	sor.u32 $0x1C02, s15  }
0x9: {  	s7 =	smul.u32 $0x4E2, s7;
	_ =	strace $0x80000047;
	s9 =	sshrl.u32 s5, $0x1  }
0xa: {  	s8 =	sadd.s32 s6, s8;
	s9 =	ssub.s32 s5, s9;
	s5 =	sadd.s32 s6, s2  }
0xb: {  	s8 =	sshrl.u32 s8, $0x3;
	s7 =	sadd.s32 s7, s4;
	s16 =	sshrl.u32 s5, $0x3  }
0xc: {  	s8 =	sadd.s32 s8, s4;
	s4 =	sadd.s32 $0x2600, s7;
	s7 =	smax.u32 s9, $0x1  }
0xd: {  	v0 =	vimm.f32 $0.0e+00;
	v1 =	vimm.f32 $1.000000000e+00;
	s9 =	simm.s32 $0x2;
	s6 =	sadd.s32 $0x16200, s8;
	s8 =	simm.s32 $0x2800  }
.LBB2_1:
0xe: {  	[tilespmem:s3], [sflag:$0x1] =	stream.linear.gather [hbm4b:s4+s3], $0x2710, $0x38;
	[tilespmem:$0x2D00] =	vst v63  }
0xf: {  	[tilespmem:$0x2800] =	vst v0  }
0x10: {  	[tilespmem:$0x2810] =	vst v0  }
0x11: {  	[tilespmem:$0x2820] =	vst v0  }
0x12: {  	[tilespmem:$0x2830] =	vst v0  }
0x13: {  	[tilespmem:$0x2840] =	vst v0  }
0x14: {  	[tilespmem:$0x2850] =	vst v0  }
0x15: {  	[tilespmem:$0x2860] =	vst v0  }
0x16: {  	[tilespmem:$0x2870] =	vst v0  }
0x17: {  	[tilespmem:$0x2880] =	vst v0  }
0x18: {  	[tilespmem:$0x2890] =	vst v0  }
0x19: {  	[tilespmem:$0x28A0] =	vst v0  }
0x1a: {  	[tilespmem:$0x28B0] =	vst v0  }
0x1b: {  	[tilespmem:$0x28C0] =	vst v0  }
0x1c: {  	[tilespmem:$0x28D0] =	vst v0  }
0x1d: {  	[tilespmem:$0x28E0] =	vst v0  }
0x1e: {  	[tilespmem:$0x28F0] =	vst v0  }
0x1f: {  	[tilespmem:$0x2900] =	vst v0  }
0x20: {  	[tilespmem:$0x2910] =	vst v0  }
0x21: {  	[tilespmem:$0x2920] =	vst v0  }
0x22: {  	[tilespmem:$0x2930] =	vst v0  }
0x23: {  	[tilespmem:$0x2940] =	vst v0  }
0x24: {  	[tilespmem:$0x2950] =	vst v0  }
0x25: {  	[tilespmem:$0x2960] =	vst v0  }
0x26: {  	[tilespmem:$0x2970] =	vst v0  }
0x27: {  	[tilespmem:$0x2980] =	vst v0  }
0x28: {  	[tilespmem:$0x2990] =	vst v0  }
0x29: {  	[tilespmem:$0x29A0] =	vst v0  }
0x2a: {  	[tilespmem:$0x29B0] =	vst v0  }
0x2b: {  	[tilespmem:$0x29C0] =	vst v0  }
0x2c: {  	[tilespmem:$0x29D0] =	vst v0  }
0x2d: {  	[tilespmem:$0x29E0] =	vst v0  }
0x2e: {  	[tilespmem:$0x29F0] =	vst v0  }
0x2f: {  	[tilespmem:$0x2A00] =	vst v0  }
0x30: {  	[tilespmem:$0x2A10] =	vst v0  }
0x31: {  	[tilespmem:$0x2A20] =	vst v0  }
0x32: {  	[tilespmem:$0x2A30] =	vst v0  }
0x33: {  	[tilespmem:$0x2A40] =	vst v0  }
0x34: {  	[tilespmem:$0x2A50] =	vst v0  }
0x35: {  	[tilespmem:$0x2A60] =	vst v0  }
0x36: {  	[tilespmem:$0x2A70] =	vst v0  }
0x37: {  	[tilespmem:$0x2780] =	vst v1  }
0x38: {  	[tilespmem:$0x2790] =	vst v1  }
0x39: {  	[tilespmem:$0x27A0] =	vst v1  }
0x3a: {  	[tilespmem:$0x27B0] =	vst v1  }
0x3b: {  	[tilespmem:$0x27C0] =	vst v1  }
0x3c: {  	[tilespmem:$0x27D0] =	vst v1  }
0x3d: {  	[tilespmem:$0x27E0] =	vst v1  }
0x3e: {  	[tilespmem:$0x27F0] =	vst v1  }
0x3f: {  	[spmem:s5] =	stream.linear.scatter [tilespmem:s8], [sflag:$0x2], $0x280, $0x38;
	[tilespmem:$0x2D00] =	vst v63  }
0x40: {  	_ =	swait.ge [sflag:s9], $0x280  }
0x41: {  	[sflag:s9] =	ssyncset.done $0x0  }
0x42: {  	[sflag:s9] =	ssyncadd.s32 $0xFFFFFD80  }
0x43: {  	_ =	swait.ge [sflag:s10], $0x2710  }
0x44: {  	[sflag:s10] =	ssyncset.done $0x0  }
0x45: {  	[sflag:s10] =	ssyncadd.s32 $0xFFFFD8F0  }
0x46: {  	s18 =	simm.s32 $0x0;
	[bflag:$0x0] =	sbarrier.arrive $0xFFFF  }
0x47: {  	[spmem:s2] =	stream.indirect.scatter.add.f32 [tilespmem:s12], [sflag:$0x2], $0x1, s18, s11, $0xb8;
	[tilespmem:$0x2D00] =	vst v63  }
0x48: {  	_ =	swait.ge [sflag:s9], $0x80  }
0x49: {  	s18 =	simm.s32 $0x200;
	[sflag:s9] =	ssyncset.done $0x0  }
.LBB2_2:
0x4a: {  	s19 =	sshra.s32 s18, $0x2;
	[sflag:s9] =	ssyncadd.s32 $0xFFFFFF80;
	p0 =	sne.s32 s18, $0x9A00  }
0x4b: {  	[spmem:s2] =	stream.indirect.scatter.add.f32 [tilespmem:s12], [sflag:$0x2], $0x1, s19, s11, $0xb8;
	[tilespmem:$0x2D00] =	vst v63  }
.Ltmp0:
0x4c: {  	_ = 	snop;
	(pc) =	sbr.rel @p0 .LBB2_2-.Ltmp0, $4  }
0x4d: {  	_ = 	snop  }
0x4e: {  	s18 =	sadd.s32 $0x200, s18  }
0x4f: {  	_ =	swait.ge [sflag:s9], $0x80  }
0x50: {  	[sflag:s9] =	ssyncset.done $0x0  }
0x51: {  	[sflag:s9] =	ssyncadd.s32 $0xFFFFFF80  }
0x52: {  	[spmem:s2] =	stream.indirect.scatter.add.f32 [tilespmem:s12], [sflag:$0x2], $0x1, s14, s13, $0xb8;
	[tilespmem:$0x2D00] =	vst v63  }
0x53: {  	_ =	swait.ge [sflag:s9], $0x10  }
0x54: {  	s17 =	sadd.s32 $0x1, s17;
	[sflag:s9] =	ssyncset.done $0x0  }
0x55: {  	p0 =	sne.s32 s17, s7;
	[sflag:s9] =	ssyncadd.s32 $0xFFFFFFF0  }
.Ltmp1:
0x56: {  	[bflag:$0x0] =	sbarrier.arrive $0xFFFF;
	(pc) =	sbr.rel @p0 .LBB2_1-.Ltmp1, $4  }
0x57: {  	[hbm:s6], [sflag:s15] =	dma.local [spmem:s16], $0x50  }
0x58: {  	_ =	swait.ge [sflag:s9], $0x50  }
0x59: {  	[sflag:s9] =	ssyncset.done $0x0  }
0x5a: {  	[sflag:s9] =	ssyncadd.s32 $0xFFFFFFB0  }
0x5b: {  	_ =	sfence.sel $0x180000  }
0x5c: {  	[bflag:$0x0] =	sbarrier.arrive $0xFFFF  }
0x5d: {  	p0 =	sne.s32 s1, $0x0;
	_ =	strace $0x90000047  }
0x5e: {  	s0 =	sadd.s32 @!p0 $0x100000, s0;
	[bflag:$0x2] =	sbarrier.arrive $0xFFFF  }
0x5f: {  	[sflag:s0] =	ssyncadd.tile.s32 @!p0 $0x1;
	_ =	shalt  }
.Lfunc_end2:
_tile_overlayer_lowered:
.L_overlay_start_2:
0x60: {  	(tag) =	ssettag $0x2  }
0x61: {  	s0 =	rddreg [dreg:$0x0];
	s2 =	stileid.u32  }
0x62: {  	s1 =	rddreg [dreg:$0x1];
	p0 =	sne.s32 s2, $0x0  }
0x63: {  	s3 =	rddreg [dreg:$0x2];
	[bflag:$0x3] =	sbarrier.arrive $0xFFFF;
	s2 =	simm.s32 @!p0 $0x1C02  }
0x64: {  	[timem:s3], [sflag:s2] =	dma.local @!p0 [hbm:s0], s1  }
0x65: {  	s0 =	simm.s32 @!p0 $0x2  }
0x66: {  	_ =	swait.ge @!p0 [sflag:s0], s1  }
0x67: {  	s1 =	ssub.s32 @!p0 $0x0, s1;
	[sflag:s0] =	ssyncset.done @!p0 $0x0  }
0x68: {  	[sflag:s0] =	ssyncadd.s32 @!p0 s1  }
0x69: {  	[bflag:$0x3] =	sbarrier.arrive $0xFFFF  }
0x6a: {  	_ =	shalt  }

</sc_bundles>
